<compile_context>
chip_gen: v7x
topology: tpu7x:2x2x1
jax: 0.10.2.dev20260603
libtpu: 0.0.44.dev20260713+nightly
codegen_flags: <defaults>
</compile_context>

<pallas_src>
import functools

import jax
import jax.numpy as jnp
from jax import lax
from jax.experimental import pallas as pl
from jax.experimental.pallas import tpu as pltpu
from jax.experimental.pallas import tpu_sc as plsc

N = 10000
D = 128
E = 320000
K = 3

NC = 2
NS = 16
NW = NC * NS
ECHUNK = 128
NCHUNKS = E // ECHUNK
ZCHUNK = 80
NZCHUNKS = N // ZCHUNK
EPW = E // NW
NFULL = EPW // ECHUNK
REM = EPW - NFULL * ECHUNK


def _sc_aggregate_body(h_hbm, src_hbm, dst_hbm, out_hbm,
                       src_big, dstb0, dstb1, dst_rem,
                       rows0, rows1, rows_rem, accum_sh,
                       sem0, sem1, semd0, semd1):
    cid = lax.axis_index("c")
    sid = lax.axis_index("s")
    wid = sid * NC + cid
    ebase = wid * EPW

    zeros16 = jnp.zeros((16,), jnp.float32)

    def zrow(i, _):
        def zcol(j, _):
            rows0[i, pl.ds(j * 16, 16)] = zeros16
            return 0
        return lax.fori_loop(0, D // 16, zcol, 0)

    lax.fori_loop(0, ZCHUNK, zrow, 0)

    pltpu.sync_copy(src_hbm.at[pl.ds(ebase, EPW)], src_big)

    nz = (NZCHUNKS - sid + NS - 1) // NS

    def zstripe(j, _):
        r0 = (sid + j * NS) * ZCHUNK
        pltpu.sync_copy(rows0.at[pl.ds(0, ZCHUNK)],
                        accum_sh.at[pl.ds(r0, ZCHUNK)])
        return 0

    lax.fori_loop(0, nz, zstripe, 0)
    plsc.subcore_barrier()

    def start_gather(j, rows, sem):
        pltpu.async_copy(
            h_hbm.at[src_big.at[pl.ds(j * ECHUNK, ECHUNK)]], rows, sem)

    def wait_gather(j, rows, sem):
        pltpu.make_async_copy(
            h_hbm.at[src_big.at[pl.ds(j * ECHUNK, ECHUNK)]], rows, sem).wait()

    def start_dst(j, buf, semd):
        pltpu.async_copy(dst_hbm.at[pl.ds(ebase + j * ECHUNK, ECHUNK)],
                         buf, semd)

    def wait_dst(j, buf, semd):
        pltpu.make_async_copy(dst_hbm.at[pl.ds(ebase + j * ECHUNK, ECHUNK)],
                              buf, semd).wait()

    start_gather(0, rows0, sem0)
    start_dst(0, dstb0, semd0)
    start_gather(1, rows1, sem1)
    start_dst(1, dstb1, semd1)

    def pair_body(i, _):
        j0 = 2 * i
        wait_gather(j0, rows0, sem0)
        wait_dst(j0, dstb0, semd0)

        @pl.when(i < (NFULL // 2) - 1)
        def _():
            start_gather(j0 + 2, rows0, sem0)
            start_dst(j0 + 2, dstb0, semd0)

        pltpu.sync_copy(rows0, accum_sh.at[dstb0], add=True)

        wait_gather(j0 + 1, rows1, sem1)
        wait_dst(j0 + 1, dstb1, semd1)

        @pl.when(i < (NFULL // 2) - 1)
        def _():
            start_gather(j0 + 3, rows1, sem1)
            start_dst(j0 + 3, dstb1, semd1)

        pltpu.sync_copy(rows1, accum_sh.at[dstb1], add=True)
        return 0

    lax.fori_loop(0, NFULL // 2, pair_body, 0)

    pltpu.async_copy(
        h_hbm.at[src_big.at[pl.ds(NFULL * ECHUNK, REM)]], rows_rem, sem0)
    pltpu.sync_copy(dst_hbm.at[pl.ds(ebase + NFULL * ECHUNK, REM)], dst_rem)
    pltpu.make_async_copy(
        h_hbm.at[src_big.at[pl.ds(NFULL * ECHUNK, REM)]], rows_rem, sem0).wait()
    pltpu.sync_copy(rows_rem, accum_sh.at[dst_rem], add=True)

    plsc.subcore_barrier()

    def wstripe(j, _):
        r0 = (sid + j * NS) * ZCHUNK
        pltpu.sync_copy(accum_sh.at[pl.ds(r0, ZCHUNK)],
                        out_hbm.at[cid, pl.ds(r0, ZCHUNK)])
        return 0

    lax.fori_loop(0, nz, wstripe, 0)


_sc_aggregate = functools.partial(
    pl.kernel,
    out_type=jax.ShapeDtypeStruct((NC, N, D), jnp.float32),
    mesh=plsc.VectorSubcoreMesh(core_axis_name="c", subcore_axis_name="s",
                                num_cores=NC, num_subcores=NS),
    scratch_types=[
        pltpu.VMEM((EPW,), jnp.int32),
        pltpu.VMEM((ECHUNK,), jnp.int32),
        pltpu.VMEM((ECHUNK,), jnp.int32),
        pltpu.VMEM((REM,), jnp.int32),
        pltpu.VMEM((ECHUNK, D), jnp.float32),
        pltpu.VMEM((ECHUNK, D), jnp.float32),
        pltpu.VMEM((REM, D), jnp.float32),
        pltpu.VMEM_SHARED((N, D), jnp.float32),
        pltpu.SemaphoreType.DMA,
        pltpu.SemaphoreType.DMA,
        pltpu.SemaphoreType.DMA,
        pltpu.SemaphoreType.DMA,
    ],
)(_sc_aggregate_body)


RBLK = 2000


def _tc_update_body(p_ref, h_ref, wrel_ref, brel_ref, wroot_ref, out_ref):
    aggr = p_ref[0] + p_ref[1]
    t = lax.dot_general(aggr, wrel_ref[...], (((1,), (1,)), ((), ())),
                        preferred_element_type=jnp.float32)
    t += lax.dot_general(h_ref[...], wroot_ref[...], (((1,), (1,)), ((), ())),
                         preferred_element_type=jnp.float32)
    out_ref[...] = jnp.maximum(t + brel_ref[...], 0.0)


def _tc_final_body(p_ref, h_ref, wrel_ref, brel_ref, wroot_ref, wlin_ref,
                   out_ref):
    aggr = p_ref[0] + p_ref[1]
    t = lax.dot_general(aggr, wrel_ref[...], (((1,), (1,)), ((), ())),
                        preferred_element_type=jnp.float32)
    t += lax.dot_general(h_ref[...], wroot_ref[...], (((1,), (1,)), ((), ())),
                         preferred_element_type=jnp.float32)
    hnew = jnp.maximum(t + brel_ref[...], 0.0)
    out_ref[...] = lax.dot_general(hnew, wlin_ref[...], (((1,), (1,)), ((), ())),
                                   preferred_element_type=jnp.float32)


def _tc_update(p, h, W_rel, b_rel2, W_root):
    return pl.pallas_call(
        _tc_update_body,
        grid=(N // RBLK,),
        in_specs=[
            pl.BlockSpec((NC, RBLK, D), lambda i: (0, i, 0)),
            pl.BlockSpec((RBLK, D), lambda i: (i, 0)),
            pl.BlockSpec((D, D), lambda i: (0, 0)),
            pl.BlockSpec((1, D), lambda i: (0, 0)),
            pl.BlockSpec((D, D), lambda i: (0, 0)),
        ],
        out_specs=pl.BlockSpec((RBLK, D), lambda i: (i, 0)),
        out_shape=jax.ShapeDtypeStruct((N, D), jnp.float32),
    )(p, h, W_rel, b_rel2, W_root)


def _tc_final(p, h, W_rel, b_rel2, W_root, W_lin):
    return pl.pallas_call(
        _tc_final_body,
        grid=(N // RBLK,),
        in_specs=[
            pl.BlockSpec((NC, RBLK, D), lambda i: (0, i, 0)),
            pl.BlockSpec((RBLK, D), lambda i: (i, 0)),
            pl.BlockSpec((D, D), lambda i: (0, 0)),
            pl.BlockSpec((1, D), lambda i: (0, 0)),
            pl.BlockSpec((D, D), lambda i: (0, 0)),
            pl.BlockSpec((1, D), lambda i: (0, 0)),
        ],
        out_specs=pl.BlockSpec((RBLK, 1), lambda i: (i, 0)),
        out_shape=jax.ShapeDtypeStruct((N, 1), jnp.float32),
    )(p, h, W_rel, b_rel2, W_root, W_lin)


def kernel(x, edge_index, batch, W_rel, b_rel, W_root, W_lin):
    src = edge_index[0]
    dst = edge_index[1]
    b_rel2 = b_rel.reshape(1, D)
    h = x
    for k in range(K):
        p = _sc_aggregate(h, src, dst)
        if k < K - 1:
            h = _tc_update(p, h, W_rel, b_rel2, W_root)
        else:
            return _tc_final(p, h, W_rel, b_rel2, W_root, W_lin)

# --- scband reference (transcript-rebuilt; emitter-appended) ---
"""Pipeline reference for scband-gconv-2688649527649 (READ-ONLY COPY).

The authoritative reference and input builder live on the scoring server;
editing this copy changes nothing except your own understanding.
"""

import jax, jax.numpy as jnp
import numpy as np

N = 10000
D = 128
E = 320000
K = 3


def setup_inputs(seed: int = 0) -> dict:
    key = jax.random.key(seed)
    ks = jax.random.split(key, 8)
    x = jax.random.normal(ks[0], (N, D), dtype=jnp.float32)
    edge_index = jax.random.randint(ks[1], (2, E), 0, N, dtype=jnp.int32)
    batch = jnp.sort(jax.random.randint(ks[2], (N,), 0, 64, dtype=jnp.int32))
    # GraphConv params (shared across the k iterations, like the torch module)
    W_rel = jax.random.normal(ks[3], (D, D), dtype=jnp.float32) * 0.05
    b_rel = jax.random.normal(ks[4], (D,), dtype=jnp.float32) * 0.05
    W_root = jax.random.normal(ks[5], (D, D), dtype=jnp.float32) * 0.05
    # Final linear projection (no bias)
    W_lin = jax.random.normal(ks[6], (1, D), dtype=jnp.float32) * 0.05
    return {"x": x, "edge_index": edge_index, "batch": batch,
            "W_rel": W_rel, "b_rel": b_rel, "W_root": W_root, "W_lin": W_lin}


def reference(x, edge_index, batch, W_rel, b_rel, W_root, W_lin):
    # PyG GraphConv with aggr='add':
    #   x_i' = W_root x_i + W_rel * sum_{j in N(i)} x_j + b_rel
    # messages flow edge_index[0] (src) -> edge_index[1] (dst)
    src = edge_index[0]
    dst = edge_index[1]
    h = x
    for _ in range(K):
        msgs = jnp.take(h, src, axis=0)                      # gather  [E, D]
        aggr = jax.ops.segment_sum(msgs, dst, num_segments=N)  # scatter-add [N, D]
        h = aggr @ W_rel.T + b_rel + h @ W_root.T
        h = jax.nn.relu(h)
    out = h @ W_lin.T                                        # [N, 1]
    return out

if __name__ == "__main__":
    import jax
    _d = setup_inputs()
    print(jax.jit(kernel)(*tuple(_d.values())))

</pallas_src>

<mosaic_0001>
#map = affine_map<(d0, d1) -> (0, 0)>
#map1 = affine_map<(d0, d1) -> (0)>
#map2 = affine_map<(d0, d1) -> (0, 0, 0)>
module attributes {stable_mosaic.version = 14 : i64} {
  func.func @_sc_aggregate_body(%arg0: i32, %arg1: i32, %arg2: memref<10000x128xf32, #tpu.memory_space<hbm>>, %arg3: memref<320000xi32, #tpu.memory_space<hbm>>, %arg4: memref<320000xi32, #tpu.memory_space<hbm>>, %arg5: memref<2x10000x128xf32, #tpu.memory_space<hbm>>, %arg6: memref<10000xi32, #tpu.memory_space<vmem>>, %arg7: memref<128xi32, #tpu.memory_space<vmem>>, %arg8: memref<128xi32, #tpu.memory_space<vmem>>, %arg9: memref<16xi32, #tpu.memory_space<vmem>>, %arg10: memref<128x128xf32, #tpu.memory_space<vmem>>, %arg11: memref<128x128xf32, #tpu.memory_space<vmem>>, %arg12: memref<16x128xf32, #tpu.memory_space<vmem>>, %arg13: memref<10000x128xf32, #tpu.memory_space<vmem_shared>>, %arg14: memref<!tpu.dma_semaphore, #tpu.memory_space<semaphore_mem>>, %arg15: memref<!tpu.dma_semaphore, #tpu.memory_space<semaphore_mem>>, %arg16: memref<!tpu.dma_semaphore, #tpu.memory_space<semaphore_mem>>, %arg17: memref<!tpu.dma_semaphore, #tpu.memory_space<semaphore_mem>>) attributes {dimension_semantics = [#tpu.dimension_semantics<core_parallel>, #tpu.dimension_semantics<subcore_parallel>], iteration_bounds = array<i64: 2, 16>, scalar_prefetch = 0 : i64, scratch_operands = 12 : i64, tpu.core_type = #tpu.core_type<sc_vector_subcore>, window_params = [{transform_indices = #map}, {transform_indices = #map1}, {transform_indices = #map1}, {transform_indices = #map2}]} {
    %mul3A = arith.constant 2 : i32
    %mul3A_0 = arith.muli %arg1, %mul3A : i32
    %add3A = arith.addi %mul3A_0, %arg0 : i32
    %mul3A_1 = arith.constant 10000 : i32
    %mul3A_2 = arith.muli %add3A, %mul3A_1 : i32
    %broadcast_in_dim3A = arith.constant 0.000000e+00 : f32
    %broadcast_in_dim3A_3 = vector.broadcast %broadcast_in_dim3A : f32 to vector<16xf32>
    %scan3A = arith.constant 0 : i32
    %scan3A_4 = arith.constant 0 : i32
    %scan3A_5 = arith.constant 80 : i32
    %scan3A_6 = arith.addi %scan3A_4, %scan3A_5 : i32
    %scan3A_7 = arith.constant 1 : i32
    %scan3A_8 = scf.for %scan3A_91 = %scan3A_4 to %scan3A_6 step %scan3A_7 iter_args(%scan3A_92 = %scan3A) -> (i32)  : i32 {
      %scan3A_93 = arith.constant 0 : i32
      %scan3A_94 = arith.constant 0 : i32
      %scan3A_95 = arith.constant 8 : i32
      %scan3A_96 = arith.addi %scan3A_94, %scan3A_95 : i32
      %scan3A_97 = arith.constant 1 : i32
      %scan3A_98 = scf.for %scan3A_100 = %scan3A_94 to %scan3A_96 step %scan3A_97 iter_args(%scan3A_101 = %scan3A_93) -> (i32)  : i32 {
        %mul3A_102 = arith.constant 16 : i32
        %mul3A_103 = arith.muli %scan3A_100, %mul3A_102 : i32
        %swap3A = arith.index_cast %scan3A_91 : i32 to index
        %swap3A_104 = arith.index_cast %mul3A_103 : i32 to index
        %swap3A_105 = tpu.vector_load %arg10[%swap3A, %swap3A_104] {strides = array<i32>} : memref<128x128xf32, #tpu.memory_space<vmem>>, vector<1x16xf32>,
        %swap3A_106 = vector.shape_cast %swap3A_105 : vector<1x16xf32> to vector<16xf32>
        %swap3A_107 = vector.shape_cast %broadcast_in_dim3A_3 : vector<16xf32> to vector<1x16xf32>
        tpu.vector_store %arg10[%swap3A, %swap3A_104], %swap3A_107 {strides = array<i32>} : memref<128x128xf32, #tpu.memory_space<vmem>>, vector<1x16xf32>,
        %scan3A_108 = arith.constant 0 : i32
        scf.yield %scan3A_108 : i32
      }
      %scan3A_99 = arith.constant 8 : i32
      scf.yield %scan3A_98 : i32
    }
    %scan3A_9 = arith.constant 80 : i32
    "tpu.region"() ({
      %run_scoped3A = tpu.sem_alloc : memref<!tpu.dma_semaphore, #tpu.memory_space<semaphore_mem>>
      %dma_start3A_91 = tpu.memref_slice %arg3[%mul3A_2] : memref<320000xi32, #tpu.memory_space<hbm>> -> memref<10000xi32, #tpu.memory_space<hbm>>
      %dma_start3A_92 = tpu.memref_slice %arg3[%mul3A_2] : memref<320000xi32, #tpu.memory_space<hbm>> -> memref<10000xi32, #tpu.memory_space<hbm>>
      tpu.enqueue_dma source(%dma_start3A_92 : memref<10000xi32, #tpu.memory_space<hbm>>) target(%arg6 : memref<10000xi32, #tpu.memory_space<vmem>>) target_semaphore(%run_scoped3A : memref<!tpu.dma_semaphore, #tpu.memory_space<semaphore_mem>>)
      %dma_wait3A_93 = tpu.memref_slice %arg3[%mul3A_2] : memref<320000xi32, #tpu.memory_space<hbm>> -> memref<10000xi32, #tpu.memory_space<hbm>>
      %dma_wait3A_94 = tpu.memref_slice %arg3[%mul3A_2] : memref<320000xi32, #tpu.memory_space<hbm>> -> memref<10000xi32, #tpu.memory_space<hbm>>
      tpu.wait_dma2 semaphore(%run_scoped3A : memref<!tpu.dma_semaphore, #tpu.memory_space<semaphore_mem>>) src(%dma_wait3A_94 : memref<10000xi32, #tpu.memory_space<hbm>>) dst(%arg6 : memref<10000xi32, #tpu.memory_space<vmem>>)
      tpu.yield
    }) : () -> ()
    %sub3A = arith.constant 125 : i32
    %sub3A_10 = arith.subi %sub3A, %arg1 : i32
    %add3A_11 = arith.constant 16 : i32
    %add3A_12 = arith.addi %sub3A_10, %add3A_11 : i32
    %sub3A_13 = arith.constant 1 : i32
    %sub3A_14 = arith.subi %add3A_12, %sub3A_13 : i32
    %jit3A = arith.constant 16 : i32
    %div3A = arith.divsi %sub3A_14, %jit3A : i32
    %sign3A = arith.constant 0 : i32
    %sign3A_15 = arith.cmpi sgt, %sub3A_14, %sign3A : i32
    %sign3A_16 = arith.extui %sign3A_15 : i1 to i32
    %sign3A_17 = arith.constant 0 : i32
    %sign3A_18 = arith.cmpi slt, %sub3A_14, %sign3A_17 : i32
    %sign3A_19 = arith.extui %sign3A_18 : i1 to i32
    %sign3A_20 = arith.subi %sign3A_16, %sign3A_19 : i32
    %sign3A_21 = arith.constant 0 : i32
    %sign3A_22 = arith.cmpi sgt, %jit3A, %sign3A_21 : i32
    %sign3A_23 = arith.extui %sign3A_22 : i1 to i32
    %sign3A_24 = arith.constant 0 : i32
    %sign3A_25 = arith.cmpi slt, %jit3A, %sign3A_24 : i32
    %sign3A_26 = arith.extui %sign3A_25 : i1 to i32
    %sign3A_27 = arith.subi %sign3A_23, %sign3A_26 : i32
    %ne3A = arith.cmpi ne, %sign3A_20, %sign3A_27 : i32
    %rem3A = arith.remsi %sub3A_14, %jit3A : i32
    %ne3A_28 = arith.constant 0 : i32
    %ne3A_29 = arith.cmpi ne, %rem3A, %ne3A_28 : i32
    %and3A = arith.andi %ne3A, %ne3A_29 : i1
    %sub3A_30 = arith.constant 1 : i32
    %sub3A_31 = arith.subi %div3A, %sub3A_30 : i32
    %select_n3A = arith.select %and3A, %sub3A_31, %div3A : i32
    %while3A = arith.constant 0 : i32
    %while3A_32 = arith.constant 0 : i32
    %while3A_33 = arith.subi %select_n3A, %while3A : i32
    %while3A_34 = arith.addi %while3A, %while3A_33 : i32
    %while3A_35 = arith.constant 1 : i32
    %while3A_36 = arith.divsi %while3A_33, %while3A_35 : i32
    %while3A_37 = arith.muli %while3A_36, %while3A_35 : i32
    %while3A_38 = arith.addi %while3A, %while3A_37 : i32
    %while3A_39 = arith.constant 1 : i32
    %while3A_40 = scf.for %while3A_91 = %while3A to %while3A_38 step %while3A_39 iter_args(%while3A_92 = %while3A_32) -> (i32)  : i32 {
      %mul3A_93 = arith.constant 16 : i32
      %mul3A_94 = arith.muli %while3A_91, %mul3A_93 : i32
      %add3A_95 = arith.addi %arg1, %mul3A_94 : i32
      %mul3A_96 = arith.constant 80 : i32
      %mul3A_97 = arith.muli %add3A_95, %mul3A_96 : i32
      "tpu.region"() ({
        %run_scoped3A = tpu.sem_alloc : memref<!tpu.dma_semaphore, #tpu.memory_space<semaphore_mem>>
        %dma_start3A_99 = arith.constant 0 : i32
        %dma_start3A_100 = arith.constant 0 : i32
        %dma_start3A_101 = tpu.memref_slice %arg10[%dma_start3A_99, %dma_start3A_100] : memref<128x128xf32, #tpu.memory_space<vmem>> -> memref<80x128xf32, #tpu.memory_space<vmem>>
        %dma_start3A_102 = arith.constant 0 : i32
        %dma_start3A_103 = tpu.memref_slice %arg13[%mul3A_97, %dma_start3A_102] : memref<10000x128xf32, #tpu.memory_space<vmem_shared>> -> memref<80x128xf32, #tpu.memory_space<vmem_shared>>
        %dma_start3A_104 = arith.constant 0 : i32
        %dma_start3A_105 = tpu.memref_slice %arg13[%mul3A_97, %dma_start3A_104] : memref<10000x128xf32, #tpu.memory_space<vmem_shared>> -> memref<80x128xf32, #tpu.memory_space<vmem_shared>>
        %dma_start3A_106 = arith.constant 0 : i32
        %dma_start3A_107 = arith.constant 0 : i32
        %dma_start3A_108 = tpu.memref_slice %arg10[%dma_start3A_106, %dma_start3A_107] : memref<128x128xf32, #tpu.memory_space<vmem>> -> memref<80x128xf32, #tpu.memory_space<vmem>>
        tpu.enqueue_dma source(%dma_start3A_108 : memref<80x128xf32, #tpu.memory_space<vmem>>) target(%dma_start3A_105 : memref<80x128xf32, #tpu.memory_space<vmem_shared>>) target_semaphore(%run_scoped3A : memref<!tpu.dma_semaphore, #tpu.memory_space<semaphore_mem>>)
        %dma_wait3A_109 = arith.constant 0 : i32
        %dma_wait3A_110 = arith.constant 0 : i32
        %dma_wait3A_111 = tpu.memref_slice %arg10[%dma_wait3A_109, %dma_wait3A_110] : memref<128x128xf32, #tpu.memory_space<vmem>> -> memref<80x128xf32, #tpu.memory_space<vmem>>
        %dma_wait3A_112 = arith.constant 0 : i32
        %dma_wait3A_113 = tpu.memref_slice %arg13[%mul3A_97, %dma_wait3A_112] : memref<10000x128xf32, #tpu.memory_space<vmem_shared>> -> memref<80x128xf32, #tpu.memory_space<vmem_shared>>
        %dma_wait3A_114 = arith.constant 0 : i32
        %dma_wait3A_115 = tpu.memref_slice %arg13[%mul3A_97, %dma_wait3A_114] : memref<10000x128xf32, #tpu.memory_space<vmem_shared>> -> memref<80x128xf32, #tpu.memory_space<vmem_shared>>
        %dma_wait3A_116 = arith.constant 0 : i32
        %dma_wait3A_117 = arith.constant 0 : i32
        %dma_wait3A_118 = tpu.memref_slice %arg10[%dma_wait3A_116, %dma_wait3A_117] : memref<128x128xf32, #tpu.memory_space<vmem>> -> memref<80x128xf32, #tpu.memory_space<vmem>>
        tpu.wait_dma2 semaphore(%run_scoped3A : memref<!tpu.dma_semaphore, #tpu.memory_space<semaphore_mem>>) src(%dma_wait3A_118 : memref<80x128xf32, #tpu.memory_space<vmem>>) dst(%dma_wait3A_115 : memref<80x128xf32, #tpu.memory_space<vmem_shared>>)
        tpu.yield
      }) : () -> ()
      %while3A_98 = arith.constant 0 : i32
      scf.yield %while3A_98 : i32
    }
    %while3A_41 = arith.constant 1 : i32
    %while3A_42 = scf.for %while3A_91 = %while3A_38 to %while3A_34 step %while3A_41 iter_args(%while3A_92 = %while3A_40) -> (i32)  : i32 {
      %mul3A_93 = arith.constant 16 : i32
      %mul3A_94 = arith.muli %while3A_91, %mul3A_93 : i32
      %add3A_95 = arith.addi %arg1, %mul3A_94 : i32
      %mul3A_96 = arith.constant 80 : i32
      %mul3A_97 = arith.muli %add3A_95, %mul3A_96 : i32
      "tpu.region"() ({
        %run_scoped3A = tpu.sem_alloc : memref<!tpu.dma_semaphore, #tpu.memory_space<semaphore_mem>>
        %dma_start3A_99 = arith.constant 0 : i32
        %dma_start3A_100 = arith.constant 0 : i32
        %dma_start3A_101 = tpu.memref_slice %arg10[%dma_start3A_99, %dma_start3A_100] : memref<128x128xf32, #tpu.memory_space<vmem>> -> memref<80x128xf32, #tpu.memory_space<vmem>>
        %dma_start3A_102 = arith.constant 0 : i32
        %dma_start3A_103 = tpu.memref_slice %arg13[%mul3A_97, %dma_start3A_102] : memref<10000x128xf32, #tpu.memory_space<vmem_shared>> -> memref<80x128xf32, #tpu.memory_space<vmem_shared>>
        %dma_start3A_104 = arith.constant 0 : i32
        %dma_start3A_105 = tpu.memref_slice %arg13[%mul3A_97, %dma_start3A_104] : memref<10000x128xf32, #tpu.memory_space<vmem_shared>> -> memref<80x128xf32, #tpu.memory_space<vmem_shared>>
        %dma_start3A_106 = arith.constant 0 : i32
        %dma_start3A_107 = arith.constant 0 : i32
        %dma_start3A_108 = tpu.memref_slice %arg10[%dma_start3A_106, %dma_start3A_107] : memref<128x128xf32, #tpu.memory_space<vmem>> -> memref<80x128xf32, #tpu.memory_space<vmem>>
        tpu.enqueue_dma source(%dma_start3A_108 : memref<80x128xf32, #tpu.memory_space<vmem>>) target(%dma_start3A_105 : memref<80x128xf32, #tpu.memory_space<vmem_shared>>) target_semaphore(%run_scoped3A : memref<!tpu.dma_semaphore, #tpu.memory_space<semaphore_mem>>)
        %dma_wait3A_109 = arith.constant 0 : i32
        %dma_wait3A_110 = arith.constant 0 : i32
        %dma_wait3A_111 = tpu.memref_slice %arg10[%dma_wait3A_109, %dma_wait3A_110] : memref<128x128xf32, #tpu.memory_space<vmem>> -> memref<80x128xf32, #tpu.memory_space<vmem>>
        %dma_wait3A_112 = arith.constant 0 : i32
        %dma_wait3A_113 = tpu.memref_slice %arg13[%mul3A_97, %dma_wait3A_112] : memref<10000x128xf32, #tpu.memory_space<vmem_shared>> -> memref<80x128xf32, #tpu.memory_space<vmem_shared>>
        %dma_wait3A_114 = arith.constant 0 : i32
        %dma_wait3A_115 = tpu.memref_slice %arg13[%mul3A_97, %dma_wait3A_114] : memref<10000x128xf32, #tpu.memory_space<vmem_shared>> -> memref<80x128xf32, #tpu.memory_space<vmem_shared>>
        %dma_wait3A_116 = arith.constant 0 : i32
        %dma_wait3A_117 = arith.constant 0 : i32
        %dma_wait3A_118 = tpu.memref_slice %arg10[%dma_wait3A_116, %dma_wait3A_117] : memref<128x128xf32, #tpu.memory_space<vmem>> -> memref<80x128xf32, #tpu.memory_space<vmem>>
        tpu.wait_dma2 semaphore(%run_scoped3A : memref<!tpu.dma_semaphore, #tpu.memory_space<semaphore_mem>>) src(%dma_wait3A_118 : memref<80x128xf32, #tpu.memory_space<vmem>>) dst(%dma_wait3A_115 : memref<80x128xf32, #tpu.memory_space<vmem_shared>>)
        tpu.yield
      }) : () -> ()
      %while3A_98 = arith.constant 0 : i32
      scf.yield %while3A_98 : i32
    }
    %barrier3A = arith.constant 0 : index
    tpu.barrier barrier_id(%barrier3A)
    %dma_start3A = arith.constant 0 : i32
    %dma_start3A_43 = tpu.memref_slice %arg6[%dma_start3A] : memref<10000xi32, #tpu.memory_space<vmem>> -> memref<128xi32, #tpu.memory_space<vmem>>
    %dma_start3A_44 = arith.constant 0 : i32
    %dma_start3A_45 = arith.constant 0 : i32
    %dma_start3A_46 = tpu.memref_slice %arg2[%dma_start3A_44, %dma_start3A_45] : memref<10000x128xf32, #tpu.memory_space<hbm>> -> memref<10000x128xf32, #tpu.memory_space<hbm>>
    tpu.enqueue_indirect_dma source(%dma_start3A_46 : memref<10000x128xf32, #tpu.memory_space<hbm>>) target(%arg10 : memref<128x128xf32, #tpu.memory_space<vmem>>) offsets(%dma_start3A_43 : memref<128xi32, #tpu.memory_space<vmem>>) semaphore(%arg14 : memref<!tpu.dma_semaphore, #tpu.memory_space<semaphore_mem>>)
    %add3A_47 = arith.constant 0 : i32
    %add3A_48 = arith.addi %mul3A_2, %add3A_47 : i32
    %dma_start3A_49 = tpu.memref_slice %arg4[%add3A_48] : memref<320000xi32, #tpu.memory_space<hbm>> -> memref<128xi32, #tpu.memory_space<hbm>>
    %dma_start3A_50 = tpu.memref_slice %arg4[%add3A_48] : memref<320000xi32, #tpu.memory_space<hbm>> -> memref<128xi32, #tpu.memory_space<hbm>>
    tpu.enqueue_dma source(%dma_start3A_50 : memref<128xi32, #tpu.memory_space<hbm>>) target(%arg7 : memref<128xi32, #tpu.memory_space<vmem>>) target_semaphore(%arg16 : memref<!tpu.dma_semaphore, #tpu.memory_space<semaphore_mem>>)
    %dma_start3A_51 = arith.constant 128 : i32
    %dma_start3A_52 = tpu.memref_slice %arg6[%dma_start3A_51] : memref<10000xi32, #tpu.memory_space<vmem>> -> memref<128xi32, #tpu.memory_space<vmem>>
    %dma_start3A_53 = arith.constant 0 : i32
    %dma_start3A_54 = arith.constant 0 : i32
    %dma_start3A_55 = tpu.memref_slice %arg2[%dma_start3A_53, %dma_start3A_54] : memref<10000x128xf32, #tpu.memory_space<hbm>> -> memref<10000x128xf32, #tpu.memory_space<hbm>>
    tpu.enqueue_indirect_dma source(%dma_start3A_55 : memref<10000x128xf32, #tpu.memory_space<hbm>>) target(%arg11 : memref<128x128xf32, #tpu.memory_space<vmem>>) offsets(%dma_start3A_52 : memref<128xi32, #tpu.memory_space<vmem>>) semaphore(%arg15 : memref<!tpu.dma_semaphore, #tpu.memory_space<semaphore_mem>>)
    %add3A_56 = arith.constant 128 : i32
    %add3A_57 = arith.addi %mul3A_2, %add3A_56 : i32
    %dma_start3A_58 = tpu.memref_slice %arg4[%add3A_57] : memref<320000xi32, #tpu.memory_space<hbm>> -> memref<128xi32, #tpu.memory_space<hbm>>
    %dma_start3A_59 = tpu.memref_slice %arg4[%add3A_57] : memref<320000xi32, #tpu.memory_space<hbm>> -> memref<128xi32, #tpu.memory_space<hbm>>
    tpu.enqueue_dma source(%dma_start3A_59 : memref<128xi32, #tpu.memory_space<hbm>>) target(%arg8 : memref<128xi32, #tpu.memory_space<vmem>>) target_semaphore(%arg17 : memref<!tpu.dma_semaphore, #tpu.memory_space<semaphore_mem>>)
    %scan3A_60 = arith.constant 0 : i32
    %scan3A_61 = arith.constant 0 : i32
    %scan3A_62 = arith.constant 39 : i32
    %scan3A_63 = arith.addi %scan3A_61, %scan3A_62 : i32
    %scan3A_64 = arith.constant 1 : i32
    %scan3A_65 = scf.for %scan3A_91 = %scan3A_61 to %scan3A_63 step %scan3A_64 iter_args(%scan3A_92 = %scan3A_60) -> (i32)  : i32 {
      %mul3A_93 = arith.constant 2 : i32
      %mul3A_94 = arith.muli %mul3A_93, %scan3A_91 : i32
      %mul3A_95 = arith.constant 128 : i32
      %mul3A_96 = arith.muli %mul3A_94, %mul3A_95 : i32
      %dma_wait3A_97 = tpu.memref_slice %arg6[%mul3A_96] : memref<10000xi32, #tpu.memory_space<vmem>> -> memref<128xi32, #tpu.memory_space<vmem>>
      %dma_wait3A_98 = arith.constant 0 : i32
      %dma_wait3A_99 = arith.constant 0 : i32
      %dma_wait3A_100 = tpu.memref_slice %arg2[%dma_wait3A_98, %dma_wait3A_99] : memref<10000x128xf32, #tpu.memory_space<hbm>> -> memref<10000x128xf32, #tpu.memory_space<hbm>>
      tpu.wait_indirect_dma semaphore(%arg14 : memref<!tpu.dma_semaphore, #tpu.memory_space<semaphore_mem>>) src(%dma_wait3A_100 : memref<10000x128xf32, #tpu.memory_space<hbm>>) dst(%arg10 : memref<128x128xf32, #tpu.memory_space<vmem>>)
      %mul3A_101 = arith.constant 128 : i32
      %mul3A_102 = arith.muli %mul3A_94, %mul3A_101 : i32
      %add3A_103 = arith.addi %mul3A_2, %mul3A_102 : i32
      %dma_wait3A_104 = tpu.memref_slice %arg4[%add3A_103] : memref<320000xi32, #tpu.memory_space<hbm>> -> memref<128xi32, #tpu.memory_space<hbm>>
      %dma_wait3A_105 = tpu.memref_slice %arg4[%add3A_103] : memref<320000xi32, #tpu.memory_space<hbm>> -> memref<128xi32, #tpu.memory_space<hbm>>
      tpu.wait_dma2 semaphore(%arg16 : memref<!tpu.dma_semaphore, #tpu.memory_space<semaphore_mem>>) src(%dma_wait3A_105 : memref<128xi32, #tpu.memory_space<hbm>>) dst(%arg7 : memref<128xi32, #tpu.memory_space<vmem>>)
      %lt3A = arith.constant 38 : i32
      %lt3A_106 = arith.cmpi slt, %scan3A_91, %lt3A : i32
      %convert_element_type3A = arith.extui %lt3A_106 : i1 to i32
      %cond3A = arith.constant 0 : i32
      %cond3A_107 = arith.cmpi ne, %convert_element_type3A, %cond3A : i32
      scf.if %cond3A_107 {
        %add3A_129 = arith.constant 2 : i32
        %add3A_130 = arith.addi %mul3A_94, %add3A_129 : i32
        %mul3A_131 = arith.constant 128 : i32
        %mul3A_132 = arith.muli %add3A_130, %mul3A_131 : i32
        %dma_start3A_133 = tpu.memref_slice %arg6[%mul3A_132] : memref<10000xi32, #tpu.memory_space<vmem>> -> memref<128xi32, #tpu.memory_space<vmem>>
        %dma_start3A_134 = arith.constant 0 : i32
        %dma_start3A_135 = arith.constant 0 : i32
        %dma_start3A_136 = tpu.memref_slice %arg2[%dma_start3A_134, %dma_start3A_135] : memref<10000x128xf32, #tpu.memory_space<hbm>> -> memref<10000x128xf32, #tpu.memory_space<hbm>>
        tpu.enqueue_indirect_dma source(%dma_start3A_136 : memref<10000x128xf32, #tpu.memory_space<hbm>>) target(%arg10 : memref<128x128xf32, #tpu.memory_space<vmem>>) offsets(%dma_start3A_133 : memref<128xi32, #tpu.memory_space<vmem>>) semaphore(%arg14 : memref<!tpu.dma_semaphore, #tpu.memory_space<semaphore_mem>>)
        %add3A_137 = arith.constant 2 : i32
        %add3A_138 = arith.addi %mul3A_94, %add3A_137 : i32
        %mul3A_139 = arith.constant 128 : i32
        %mul3A_140 = arith.muli %add3A_138, %mul3A_139 : i32
        %add3A_141 = arith.addi %mul3A_2, %mul3A_140 : i32
        %dma_start3A_142 = tpu.memref_slice %arg4[%add3A_141] : memref<320000xi32, #tpu.memory_space<hbm>> -> memref<128xi32, #tpu.memory_space<hbm>>
        %dma_start3A_143 = tpu.memref_slice %arg4[%add3A_141] : memref<320000xi32, #tpu.memory_space<hbm>> -> memref<128xi32, #tpu.memory_space<hbm>>
        tpu.enqueue_dma source(%dma_start3A_143 : memref<128xi32, #tpu.memory_space<hbm>>) target(%arg7 : memref<128xi32, #tpu.memory_space<vmem>>) target_semaphore(%arg16 : memref<!tpu.dma_semaphore, #tpu.memory_space<semaphore_mem>>)
      } else {
      }
      "tpu.region"() ({
        %run_scoped3A = tpu.sem_alloc : memref<!tpu.dma_semaphore, #tpu.memory_space<semaphore_mem>>
        %dma_start3A_129 = arith.constant 0 : i32
        %dma_start3A_130 = arith.constant 0 : i32
        %dma_start3A_131 = tpu.memref_slice %arg13[%dma_start3A_129, %dma_start3A_130] : memref<10000x128xf32, #tpu.memory_space<vmem_shared>> -> memref<10000x128xf32, #tpu.memory_space<vmem_shared>>
        tpu.enqueue_indirect_dma source(%arg10 : memref<128x128xf32, #tpu.memory_space<vmem>>) target(%dma_start3A_131 : memref<10000x128xf32, #tpu.memory_space<vmem_shared>>) offsets(%arg7 : memref<128xi32, #tpu.memory_space<vmem>>) semaphore(%run_scoped3A : memref<!tpu.dma_semaphore, #tpu.memory_space<semaphore_mem>>) {add = true}
        %dma_wait3A_132 = arith.constant 0 : i32
        %dma_wait3A_133 = arith.constant 0 : i32
        %dma_wait3A_134 = tpu.memref_slice %arg13[%dma_wait3A_132, %dma_wait3A_133] : memref<10000x128xf32, #tpu.memory_space<vmem_shared>> -> memref<10000x128xf32, #tpu.memory_space<vmem_shared>>
        tpu.wait_indirect_dma semaphore(%run_scoped3A : memref<!tpu.dma_semaphore, #tpu.memory_space<semaphore_mem>>) src(%arg10 : memref<128x128xf32, #tpu.memory_space<vmem>>) dst(%dma_wait3A_134 : memref<10000x128xf32, #tpu.memory_space<vmem_shared>>)
        tpu.yield
      }) : () -> ()
      %add3A_108 = arith.constant 1 : i32
      %add3A_109 = arith.addi %mul3A_94, %add3A_108 : i32
      %mul3A_110 = arith.constant 128 : i32
      %mul3A_111 = arith.muli %add3A_109, %mul3A_110 : i32
      %dma_wait3A_112 = tpu.memref_slice %arg6[%mul3A_111] : memref<10000xi32, #tpu.memory_space<vmem>> -> memref<128xi32, #tpu.memory_space<vmem>>
      %dma_wait3A_113 = arith.constant 0 : i32
      %dma_wait3A_114 = arith.constant 0 : i32
      %dma_wait3A_115 = tpu.memref_slice %arg2[%dma_wait3A_113, %dma_wait3A_114] : memref<10000x128xf32, #tpu.memory_space<hbm>> -> memref<10000x128xf32, #tpu.memory_space<hbm>>
      tpu.wait_indirect_dma semaphore(%arg15 : memref<!tpu.dma_semaphore, #tpu.memory_space<semaphore_mem>>) src(%dma_wait3A_115 : memref<10000x128xf32, #tpu.memory_space<hbm>>) dst(%arg11 : memref<128x128xf32, #tpu.memory_space<vmem>>)
      %add3A_116 = arith.constant 1 : i32
      %add3A_117 = arith.addi %mul3A_94, %add3A_116 : i32
      %mul3A_118 = arith.constant 128 : i32
      %mul3A_119 = arith.muli %add3A_117, %mul3A_118 : i32
      %add3A_120 = arith.addi %mul3A_2, %mul3A_119 : i32
      %dma_wait3A_121 = tpu.memref_slice %arg4[%add3A_120] : memref<320000xi32, #tpu.memory_space<hbm>> -> memref<128xi32, #tpu.memory_space<hbm>>
      %dma_wait3A_122 = tpu.memref_slice %arg4[%add3A_120] : memref<320000xi32, #tpu.memory_space<hbm>> -> memref<128xi32, #tpu.memory_space<hbm>>
      tpu.wait_dma2 semaphore(%arg17 : memref<!tpu.dma_semaphore, #tpu.memory_space<semaphore_mem>>) src(%dma_wait3A_122 : memref<128xi32, #tpu.memory_space<hbm>>) dst(%arg8 : memref<128xi32, #tpu.memory_space<vmem>>)
      %lt3A_123 = arith.constant 38 : i32
      %lt3A_124 = arith.cmpi slt, %scan3A_91, %lt3A_123 : i32
      %convert_element_type3A_125 = arith.extui %lt3A_124 : i1 to i32
      %cond3A_126 = arith.constant 0 : i32
      %cond3A_127 = arith.cmpi ne, %convert_element_type3A_125, %cond3A_126 : i32
      scf.if %cond3A_127 {
        %add3A_129 = arith.constant 3 : i32
        %add3A_130 = arith.addi %mul3A_94, %add3A_129 : i32
        %mul3A_131 = arith.constant 128 : i32
        %mul3A_132 = arith.muli %add3A_130, %mul3A_131 : i32
        %dma_start3A_133 = tpu.memref_slice %arg6[%mul3A_132] : memref<10000xi32, #tpu.memory_space<vmem>> -> memref<128xi32, #tpu.memory_space<vmem>>
        %dma_start3A_134 = arith.constant 0 : i32
        %dma_start3A_135 = arith.constant 0 : i32
        %dma_start3A_136 = tpu.memref_slice %arg2[%dma_start3A_134, %dma_start3A_135] : memref<10000x128xf32, #tpu.memory_space<hbm>> -> memref<10000x128xf32, #tpu.memory_space<hbm>>
        tpu.enqueue_indirect_dma source(%dma_start3A_136 : memref<10000x128xf32, #tpu.memory_space<hbm>>) target(%arg11 : memref<128x128xf32, #tpu.memory_space<vmem>>) offsets(%dma_start3A_133 : memref<128xi32, #tpu.memory_space<vmem>>) semaphore(%arg15 : memref<!tpu.dma_semaphore, #tpu.memory_space<semaphore_mem>>)
        %add3A_137 = arith.constant 3 : i32
        %add3A_138 = arith.addi %mul3A_94, %add3A_137 : i32
        %mul3A_139 = arith.constant 128 : i32
        %mul3A_140 = arith.muli %add3A_138, %mul3A_139 : i32
        %add3A_141 = arith.addi %mul3A_2, %mul3A_140 : i32
        %dma_start3A_142 = tpu.memref_slice %arg4[%add3A_141] : memref<320000xi32, #tpu.memory_space<hbm>> -> memref<128xi32, #tpu.memory_space<hbm>>
        %dma_start3A_143 = tpu.memref_slice %arg4[%add3A_141] : memref<320000xi32, #tpu.memory_space<hbm>> -> memref<128xi32, #tpu.memory_space<hbm>>
        tpu.enqueue_dma source(%dma_start3A_143 : memref<128xi32, #tpu.memory_space<hbm>>) target(%arg8 : memref<128xi32, #tpu.memory_space<vmem>>) target_semaphore(%arg17 : memref<!tpu.dma_semaphore, #tpu.memory_space<semaphore_mem>>)
      } else {
      }
      "tpu.region"() ({
        %run_scoped3A = tpu.sem_alloc : memref<!tpu.dma_semaphore, #tpu.memory_space<semaphore_mem>>
        %dma_start3A_129 = arith.constant 0 : i32
        %dma_start3A_130 = arith.constant 0 : i32
        %dma_start3A_131 = tpu.memref_slice %arg13[%dma_start3A_129, %dma_start3A_130] : memref<10000x128xf32, #tpu.memory_space<vmem_shared>> -> memref<10000x128xf32, #tpu.memory_space<vmem_shared>>
        tpu.enqueue_indirect_dma source(%arg11 : memref<128x128xf32, #tpu.memory_space<vmem>>) target(%dma_start3A_131 : memref<10000x128xf32, #tpu.memory_space<vmem_shared>>) offsets(%arg8 : memref<128xi32, #tpu.memory_space<vmem>>) semaphore(%run_scoped3A : memref<!tpu.dma_semaphore, #tpu.memory_space<semaphore_mem>>) {add = true}
        %dma_wait3A_132 = arith.constant 0 : i32
        %dma_wait3A_133 = arith.constant 0 : i32
        %dma_wait3A_134 = tpu.memref_slice %arg13[%dma_wait3A_132, %dma_wait3A_133] : memref<10000x128xf32, #tpu.memory_space<vmem_shared>> -> memref<10000x128xf32, #tpu.memory_space<vmem_shared>>
        tpu.wait_indirect_dma semaphore(%run_scoped3A : memref<!tpu.dma_semaphore, #tpu.memory_space<semaphore_mem>>) src(%arg11 : memref<128x128xf32, #tpu.memory_space<vmem>>) dst(%dma_wait3A_134 : memref<10000x128xf32, #tpu.memory_space<vmem_shared>>)
        tpu.yield
      }) : () -> ()
      %scan3A_128 = arith.constant 0 : i32
      scf.yield %scan3A_128 : i32
    }
    %scan3A_66 = arith.constant 39 : i32
    %dma_start3A_67 = arith.constant 9984 : i32
    %dma_start3A_68 = tpu.memref_slice %arg6[%dma_start3A_67] : memref<10000xi32, #tpu.memory_space<vmem>> -> memref<16xi32, #tpu.memory_space<vmem>>
    %dma_start3A_69 = arith.constant 0 : i32
    %dma_start3A_70 = arith.constant 0 : i32
    %dma_start3A_71 = tpu.memref_slice %arg2[%dma_start3A_69, %dma_start3A_70] : memref<10000x128xf32, #tpu.memory_space<hbm>> -> memref<10000x128xf32, #tpu.memory_space<hbm>>
    tpu.enqueue_indirect_dma source(%dma_start3A_71 : memref<10000x128xf32, #tpu.memory_space<hbm>>) target(%arg12 : memref<16x128xf32, #tpu.memory_space<vmem>>) offsets(%dma_start3A_68 : memref<16xi32, #tpu.memory_space<vmem>>) semaphore(%arg14 : memref<!tpu.dma_semaphore, #tpu.memory_space<semaphore_mem>>)
    %add3A_72 = arith.constant 9984 : i32
    %add3A_73 = arith.addi %mul3A_2, %add3A_72 : i32
    "tpu.region"() ({
      %run_scoped3A = tpu.sem_alloc : memref<!tpu.dma_semaphore, #tpu.memory_space<semaphore_mem>>
      %dma_start3A_91 = tpu.memref_slice %arg4[%add3A_73] : memref<320000xi32, #tpu.memory_space<hbm>> -> memref<16xi32, #tpu.memory_space<hbm>>
      %dma_start3A_92 = tpu.memref_slice %arg4[%add3A_73] : memref<320000xi32, #tpu.memory_space<hbm>> -> memref<16xi32, #tpu.memory_space<hbm>>
      tpu.enqueue_dma source(%dma_start3A_92 : memref<16xi32, #tpu.memory_space<hbm>>) target(%arg9 : memref<16xi32, #tpu.memory_space<vmem>>) target_semaphore(%run_scoped3A : memref<!tpu.dma_semaphore, #tpu.memory_space<semaphore_mem>>)
      %dma_wait3A_93 = tpu.memref_slice %arg4[%add3A_73] : memref<320000xi32, #tpu.memory_space<hbm>> -> memref<16xi32, #tpu.memory_space<hbm>>
      %dma_wait3A_94 = tpu.memref_slice %arg4[%add3A_73] : memref<320000xi32, #tpu.memory_space<hbm>> -> memref<16xi32, #tpu.memory_space<hbm>>
      tpu.wait_dma2 semaphore(%run_scoped3A : memref<!tpu.dma_semaphore, #tpu.memory_space<semaphore_mem>>) src(%dma_wait3A_94 : memref<16xi32, #tpu.memory_space<hbm>>) dst(%arg9 : memref<16xi32, #tpu.memory_space<vmem>>)
      tpu.yield
    }) : () -> ()
    %dma_wait3A = arith.constant 9984 : i32
    %dma_wait3A_74 = tpu.memref_slice %arg6[%dma_wait3A] : memref<10000xi32, #tpu.memory_space<vmem>> -> memref<16xi32, #tpu.memory_space<vmem>>
    %dma_wait3A_75 = arith.constant 0 : i32
    %dma_wait3A_76 = arith.constant 0 : i32
    %dma_wait3A_77 = tpu.memref_slice %arg2[%dma_wait3A_75, %dma_wait3A_76] : memref<10000x128xf32, #tpu.memory_space<hbm>> -> memref<10000x128xf32, #tpu.memory_space<hbm>>
    tpu.wait_indirect_dma semaphore(%arg14 : memref<!tpu.dma_semaphore, #tpu.memory_space<semaphore_mem>>) src(%dma_wait3A_77 : memref<10000x128xf32, #tpu.memory_space<hbm>>) dst(%arg12 : memref<16x128xf32, #tpu.memory_space<vmem>>)
    "tpu.region"() ({
      %run_scoped3A = tpu.sem_alloc : memref<!tpu.dma_semaphore, #tpu.memory_space<semaphore_mem>>
      %dma_start3A_91 = arith.constant 0 : i32
      %dma_start3A_92 = arith.constant 0 : i32
      %dma_start3A_93 = tpu.memref_slice %arg13[%dma_start3A_91, %dma_start3A_92] : memref<10000x128xf32, #tpu.memory_space<vmem_shared>> -> memref<10000x128xf32, #tpu.memory_space<vmem_shared>>
      tpu.enqueue_indirect_dma source(%arg12 : memref<16x128xf32, #tpu.memory_space<vmem>>) target(%dma_start3A_93 : memref<10000x128xf32, #tpu.memory_space<vmem_shared>>) offsets(%arg9 : memref<16xi32, #tpu.memory_space<vmem>>) semaphore(%run_scoped3A : memref<!tpu.dma_semaphore, #tpu.memory_space<semaphore_mem>>) {add = true}
      %dma_wait3A_94 = arith.constant 0 : i32
      %dma_wait3A_95 = arith.constant 0 : i32
      %dma_wait3A_96 = tpu.memref_slice %arg13[%dma_wait3A_94, %dma_wait3A_95] : memref<10000x128xf32, #tpu.memory_space<vmem_shared>> -> memref<10000x128xf32, #tpu.memory_space<vmem_shared>>
      tpu.wait_indirect_dma semaphore(%run_scoped3A : memref<!tpu.dma_semaphore, #tpu.memory_space<semaphore_mem>>) src(%arg12 : memref<16x128xf32, #tpu.memory_space<vmem>>) dst(%dma_wait3A_96 : memref<10000x128xf32, #tpu.memory_space<vmem_shared>>)
      tpu.yield
    }) : () -> ()
    %barrier3A_78 = arith.constant 0 : index
    tpu.barrier barrier_id(%barrier3A_78)
    %while3A_79 = arith.constant 0 : i32
    %while3A_80 = arith.constant 0 : i32
    %while3A_81 = arith.subi %select_n3A, %while3A_79 : i32
    %while3A_82 = arith.addi %while3A_79, %while3A_81 : i32
    %while3A_83 = arith.constant 1 : i32
    %while3A_84 = arith.divsi %while3A_81, %while3A_83 : i32
    %while3A_85 = arith.muli %while3A_84, %while3A_83 : i32
    %while3A_86 = arith.addi %while3A_79, %while3A_85 : i32
    %while3A_87 = arith.constant 1 : i32
    %while3A_88 = scf.for %while3A_91 = %while3A_79 to %while3A_86 step %while3A_87 iter_args(%while3A_92 = %while3A_80) -> (i32)  : i32 {
      %mul3A_93 = arith.constant 16 : i32
      %mul3A_94 = arith.muli %while3A_91, %mul3A_93 : i32
      %add3A_95 = arith.addi %arg1, %mul3A_94 : i32
      %mul3A_96 = arith.constant 80 : i32
      %mul3A_97 = arith.muli %add3A_95, %mul3A_96 : i32
      "tpu.region"() ({
        %run_scoped3A = tpu.sem_alloc : memref<!tpu.dma_semaphore, #tpu.memory_space<semaphore_mem>>
        %dma_start3A_99 = arith.constant 0 : i32
        %dma_start3A_100 = tpu.memref_slice %arg5[%arg0, %mul3A_97, %dma_start3A_99] : memref<2x10000x128xf32, #tpu.memory_space<hbm>> -> memref<1x80x128xf32, #tpu.memory_space<hbm>>
        %dma_start3A_101 = tpu.memref_squeeze %dma_start3A_100 : memref<1x80x128xf32, #tpu.memory_space<hbm>> -> memref<80x128xf32, #tpu.memory_space<hbm>>
        %dma_start3A_102 = arith.constant 0 : i32
        %dma_start3A_103 = tpu.memref_slice %arg13[%mul3A_97, %dma_start3A_102] : memref<10000x128xf32, #tpu.memory_space<vmem_shared>> -> memref<80x128xf32, #tpu.memory_space<vmem_shared>>
        tpu.enqueue_dma source(%dma_start3A_103 : memref<80x128xf32, #tpu.memory_space<vmem_shared>>) target(%dma_start3A_101 : memref<80x128xf32, #tpu.memory_space<hbm>>) target_semaphore(%run_scoped3A : memref<!tpu.dma_semaphore, #tpu.memory_space<semaphore_mem>>)
        %dma_wait3A_104 = arith.constant 0 : i32
        %dma_wait3A_105 = tpu.memref_slice %arg5[%arg0, %mul3A_97, %dma_wait3A_104] : memref<2x10000x128xf32, #tpu.memory_space<hbm>> -> memref<1x80x128xf32, #tpu.memory_space<hbm>>
        %dma_wait3A_106 = tpu.memref_squeeze %dma_wait3A_105 : memref<1x80x128xf32, #tpu.memory_space<hbm>> -> memref<80x128xf32, #tpu.memory_space<hbm>>
        %dma_wait3A_107 = arith.constant 0 : i32
        %dma_wait3A_108 = tpu.memref_slice %arg13[%mul3A_97, %dma_wait3A_107] : memref<10000x128xf32, #tpu.memory_space<vmem_shared>> -> memref<80x128xf32, #tpu.memory_space<vmem_shared>>
        tpu.wait_dma2 semaphore(%run_scoped3A : memref<!tpu.dma_semaphore, #tpu.memory_space<semaphore_mem>>) src(%dma_wait3A_108 : memref<80x128xf32, #tpu.memory_space<vmem_shared>>) dst(%dma_wait3A_106 : memref<80x128xf32, #tpu.memory_space<hbm>>)
        tpu.yield
      }) : () -> ()
      %while3A_98 = arith.constant 0 : i32
      scf.yield %while3A_98 : i32
    }
    %while3A_89 = arith.constant 1 : i32
    %while3A_90 = scf.for %while3A_91 = %while3A_86 to %while3A_82 step %while3A_89 iter_args(%while3A_92 = %while3A_88) -> (i32)  : i32 {
      %mul3A_93 = arith.constant 16 : i32
      %mul3A_94 = arith.muli %while3A_91, %mul3A_93 : i32
      %add3A_95 = arith.addi %arg1, %mul3A_94 : i32
      %mul3A_96 = arith.constant 80 : i32
      %mul3A_97 = arith.muli %add3A_95, %mul3A_96 : i32
      "tpu.region"() ({
        %run_scoped3A = tpu.sem_alloc : memref<!tpu.dma_semaphore, #tpu.memory_space<semaphore_mem>>
        %dma_start3A_99 = arith.constant 0 : i32
        %dma_start3A_100 = tpu.memref_slice %arg5[%arg0, %mul3A_97, %dma_start3A_99] : memref<2x10000x128xf32, #tpu.memory_space<hbm>> -> memref<1x80x128xf32, #tpu.memory_space<hbm>>
        %dma_start3A_101 = tpu.memref_squeeze %dma_start3A_100 : memref<1x80x128xf32, #tpu.memory_space<hbm>> -> memref<80x128xf32, #tpu.memory_space<hbm>>
        %dma_start3A_102 = arith.constant 0 : i32
        %dma_start3A_103 = tpu.memref_slice %arg13[%mul3A_97, %dma_start3A_102] : memref<10000x128xf32, #tpu.memory_space<vmem_shared>> -> memref<80x128xf32, #tpu.memory_space<vmem_shared>>
        tpu.enqueue_dma source(%dma_start3A_103 : memref<80x128xf32, #tpu.memory_space<vmem_shared>>) target(%dma_start3A_101 : memref<80x128xf32, #tpu.memory_space<hbm>>) target_semaphore(%run_scoped3A : memref<!tpu.dma_semaphore, #tpu.memory_space<semaphore_mem>>)
        %dma_wait3A_104 = arith.constant 0 : i32
        %dma_wait3A_105 = tpu.memref_slice %arg5[%arg0, %mul3A_97, %dma_wait3A_104] : memref<2x10000x128xf32, #tpu.memory_space<hbm>> -> memref<1x80x128xf32, #tpu.memory_space<hbm>>
        %dma_wait3A_106 = tpu.memref_squeeze %dma_wait3A_105 : memref<1x80x128xf32, #tpu.memory_space<hbm>> -> memref<80x128xf32, #tpu.memory_space<hbm>>
        %dma_wait3A_107 = arith.constant 0 : i32
        %dma_wait3A_108 = tpu.memref_slice %arg13[%mul3A_97, %dma_wait3A_107] : memref<10000x128xf32, #tpu.memory_space<vmem_shared>> -> memref<80x128xf32, #tpu.memory_space<vmem_shared>>
        tpu.wait_dma2 semaphore(%run_scoped3A : memref<!tpu.dma_semaphore, #tpu.memory_space<semaphore_mem>>) src(%dma_wait3A_108 : memref<80x128xf32, #tpu.memory_space<vmem_shared>>) dst(%dma_wait3A_106 : memref<80x128xf32, #tpu.memory_space<hbm>>)
        tpu.yield
      }) : () -> ()
      %while3A_98 = arith.constant 0 : i32
      scf.yield %while3A_98 : i32
    }
    return
  }
}

#map = affine_map<(d0, d1) -> (0, 0)>
#map1 = affine_map<(d0, d1) -> (0)>
#map2 = affine_map<(d0, d1) -> (0, 0, 0)>
module attributes {stable_mosaic.version = 14 : i64} {
  func.func @_sc_aggregate_body(%arg0: i32, %arg1: i32, %arg2: memref<10000x128xf32, #tpu.memory_space<hbm>>, %arg3: memref<320000xi32, #tpu.memory_space<hbm>>, %arg4: memref<320000xi32, #tpu.memory_space<hbm>>, %arg5: memref<2x10000x128xf32, #tpu.memory_space<hbm>>, %arg6: memref<10000xi32, #tpu.memory_space<vmem>>, %arg7: memref<128xi32, #tpu.memory_space<vmem>>, %arg8: memref<128xi32, #tpu.memory_space<vmem>>, %arg9: memref<16xi32, #tpu.memory_space<vmem>>, %arg10: memref<128x128xf32, #tpu.memory_space<vmem>>, %arg11: memref<128x128xf32, #tpu.memory_space<vmem>>, %arg12: memref<16x128xf32, #tpu.memory_space<vmem>>, %arg13: memref<10000x128xf32, #tpu.memory_space<vmem_shared>>, %arg14: memref<!tpu.dma_semaphore, #tpu.memory_space<semaphore_mem>>, %arg15: memref<!tpu.dma_semaphore, #tpu.memory_space<semaphore_mem>>, %arg16: memref<!tpu.dma_semaphore, #tpu.memory_space<semaphore_mem>>, %arg17: memref<!tpu.dma_semaphore, #tpu.memory_space<semaphore_mem>>) attributes {dimension_semantics = [#tpu.dimension_semantics<core_parallel>, #tpu.dimension_semantics<subcore_parallel>], iteration_bounds = array<i64: 2, 16>, scalar_prefetch = 0 : i64, scratch_operands = 12 : i64, tpu.core_type = #tpu.core_type<sc_vector_subcore>, window_params = [{transform_indices = #map}, {transform_indices = #map1}, {transform_indices = #map1}, {transform_indices = #map2}]} {
    %mul3A = arith.constant 2 : i32
    %mul3A_0 = arith.muli %arg1, %mul3A : i32
    %add3A = arith.addi %mul3A_0, %arg0 : i32
    %mul3A_1 = arith.constant 10000 : i32
    %mul3A_2 = arith.muli %add3A, %mul3A_1 : i32
    %broadcast_in_dim3A = arith.constant 0.000000e+00 : f32
    %broadcast_in_dim3A_3 = vector.broadcast %broadcast_in_dim3A : f32 to vector<16xf32>
    %scan3A = arith.constant 0 : i32
    %scan3A_4 = arith.constant 0 : i32
    %scan3A_5 = arith.constant 80 : i32
    %scan3A_6 = arith.addi %scan3A_4, %scan3A_5 : i32
    %scan3A_7 = arith.constant 1 : i32
    %scan3A_8 = scf.for %scan3A_91 = %scan3A_4 to %scan3A_6 step %scan3A_7 iter_args(%scan3A_92 = %scan3A) -> (i32)  : i32 {
      %scan3A_93 = arith.constant 0 : i32
      %scan3A_94 = arith.constant 0 : i32
      %scan3A_95 = arith.constant 8 : i32
      %scan3A_96 = arith.addi %scan3A_94, %scan3A_95 : i32
      %scan3A_97 = arith.constant 1 : i32
      %scan3A_98 = scf.for %scan3A_100 = %scan3A_94 to %scan3A_96 step %scan3A_97 iter_args(%scan3A_101 = %scan3A_93) -> (i32)  : i32 {
        %mul3A_102 = arith.constant 16 : i32
        %mul3A_103 = arith.muli %scan3A_100, %mul3A_102 : i32
        %swap3A = arith.index_cast %scan3A_91 : i32 to index
        %swap3A_104 = arith.index_cast %mul3A_103 : i32 to index
        %swap3A_105 = tpu.vector_load %arg10[%swap3A, %swap3A_104] {strides = array<i32>} : memref<128x128xf32, #tpu.memory_space<vmem>>, vector<1x16xf32>,
        %swap3A_106 = vector.shape_cast %swap3A_105 : vector<1x16xf32> to vector<16xf32>
        %swap3A_107 = vector.shape_cast %broadcast_in_dim3A_3 : vector<16xf32> to vector<1x16xf32>
        tpu.vector_store %arg10[%swap3A, %swap3A_104], %swap3A_107 {strides = array<i32>} : memref<128x128xf32, #tpu.memory_space<vmem>>, vector<1x16xf32>,
        %scan3A_108 = arith.constant 0 : i32
        scf.yield %scan3A_108 : i32
      }
      %scan3A_99 = arith.constant 8 : i32
      scf.yield %scan3A_98 : i32
    }
    %scan3A_9 = arith.constant 80 : i32
    "tpu.region"() ({
      %run_scoped3A = tpu.sem_alloc : memref<!tpu.dma_semaphore, #tpu.memory_space<semaphore_mem>>
      %dma_start3A_91 = tpu.memref_slice %arg3[%mul3A_2] : memref<320000xi32, #tpu.memory_space<hbm>> -> memref<10000xi32, #tpu.memory_space<hbm>>
      %dma_start3A_92 = tpu.memref_slice %arg3[%mul3A_2] : memref<320000xi32, #tpu.memory_space<hbm>> -> memref<10000xi32, #tpu.memory_space<hbm>>
      tpu.enqueue_dma source(%dma_start3A_92 : memref<10000xi32, #tpu.memory_space<hbm>>) target(%arg6 : memref<10000xi32, #tpu.memory_space<vmem>>) target_semaphore(%run_scoped3A : memref<!tpu.dma_semaphore, #tpu.memory_space<semaphore_mem>>)
      %dma_wait3A_93 = tpu.memref_slice %arg3[%mul3A_2] : memref<320000xi32, #tpu.memory_space<hbm>> -> memref<10000xi32, #tpu.memory_space<hbm>>
      %dma_wait3A_94 = tpu.memref_slice %arg3[%mul3A_2] : memref<320000xi32, #tpu.memory_space<hbm>> -> memref<10000xi32, #tpu.memory_space<hbm>>
      tpu.wait_dma2 semaphore(%run_scoped3A : memref<!tpu.dma_semaphore, #tpu.memory_space<semaphore_mem>>) src(%dma_wait3A_94 : memref<10000xi32, #tpu.memory_space<hbm>>) dst(%arg6 : memref<10000xi32, #tpu.memory_space<vmem>>)
      tpu.yield
    }) : () -> ()
    %sub3A = arith.constant 125 : i32
    %sub3A_10 = arith.subi %sub3A, %arg1 : i32
    %add3A_11 = arith.constant 16 : i32
    %add3A_12 = arith.addi %sub3A_10, %add3A_11 : i32
    %sub3A_13 = arith.constant 1 : i32
    %sub3A_14 = arith.subi %add3A_12, %sub3A_13 : i32
    %jit3A = arith.constant 16 : i32
    %div3A = arith.divsi %sub3A_14, %jit3A : i32
    %sign3A = arith.constant 0 : i32
    %sign3A_15 = arith.cmpi sgt, %sub3A_14, %sign3A : i32
    %sign3A_16 = arith.extui %sign3A_15 : i1 to i32
    %sign3A_17 = arith.constant 0 : i32
    %sign3A_18 = arith.cmpi slt, %sub3A_14, %sign3A_17 : i32
    %sign3A_19 = arith.extui %sign3A_18 : i1 to i32
    %sign3A_20 = arith.subi %sign3A_16, %sign3A_19 : i32
    %sign3A_21 = arith.constant 0 : i32
    %sign3A_22 = arith.cmpi sgt, %jit3A, %sign3A_21 : i32
    %sign3A_23 = arith.extui %sign3A_22 : i1 to i32
    %sign3A_24 = arith.constant 0 : i32
    %sign3A_25 = arith.cmpi slt, %jit3A, %sign3A_24 : i32
    %sign3A_26 = arith.extui %sign3A_25 : i1 to i32
    %sign3A_27 = arith.subi %sign3A_23, %sign3A_26 : i32
    %ne3A = arith.cmpi ne, %sign3A_20, %sign3A_27 : i32
    %rem3A = arith.remsi %sub3A_14, %jit3A : i32
    %ne3A_28 = arith.constant 0 : i32
    %ne3A_29 = arith.cmpi ne, %rem3A, %ne3A_28 : i32
    %and3A = arith.andi %ne3A, %ne3A_29 : i1
    %sub3A_30 = arith.constant 1 : i32
    %sub3A_31 = arith.subi %div3A, %sub3A_30 : i32
    %select_n3A = arith.select %and3A, %sub3A_31, %div3A : i32
    %while3A = arith.constant 0 : i32
    %while3A_32 = arith.constant 0 : i32
    %while3A_33 = arith.subi %select_n3A, %while3A : i32
    %while3A_34 = arith.addi %while3A, %while3A_33 : i32
    %while3A_35 = arith.constant 1 : i32
    %while3A_36 = arith.divsi %while3A_33, %while3A_35 : i32
    %while3A_37 = arith.muli %while3A_36, %while3A_35 : i32
    %while3A_38 = arith.addi %while3A, %while3A_37 : i32
    %while3A_39 = arith.constant 1 : i32
    %while3A_40 = scf.for %while3A_91 = %while3A to %while3A_38 step %while3A_39 iter_args(%while3A_92 = %while3A_32) -> (i32)  : i32 {
      %mul3A_93 = arith.constant 16 : i32
      %mul3A_94 = arith.muli %while3A_91, %mul3A_93 : i32
      %add3A_95 = arith.addi %arg1, %mul3A_94 : i32
      %mul3A_96 = arith.constant 80 : i32
      %mul3A_97 = arith.muli %add3A_95, %mul3A_96 : i32
      "tpu.region"() ({
        %run_scoped3A = tpu.sem_alloc : memref<!tpu.dma_semaphore, #tpu.memory_space<semaphore_mem>>
        %dma_start3A_99 = arith.constant 0 : i32
        %dma_start3A_100 = arith.constant 0 : i32
        %dma_start3A_101 = tpu.memref_slice %arg10[%dma_start3A_99, %dma_start3A_100] : memref<128x128xf32, #tpu.memory_space<vmem>> -> memref<80x128xf32, #tpu.memory_space<vmem>>
        %dma_start3A_102 = arith.constant 0 : i32
        %dma_start3A_103 = tpu.memref_slice %arg13[%mul3A_97, %dma_start3A_102] : memref<10000x128xf32, #tpu.memory_space<vmem_shared>> -> memref<80x128xf32, #tpu.memory_space<vmem_shared>>
        %dma_start3A_104 = arith.constant 0 : i32
        %dma_start3A_105 = tpu.memref_slice %arg13[%mul3A_97, %dma_start3A_104] : memref<10000x128xf32, #tpu.memory_space<vmem_shared>> -> memref<80x128xf32, #tpu.memory_space<vmem_shared>>
        %dma_start3A_106 = arith.constant 0 : i32
        %dma_start3A_107 = arith.constant 0 : i32
        %dma_start3A_108 = tpu.memref_slice %arg10[%dma_start3A_106, %dma_start3A_107] : memref<128x128xf32, #tpu.memory_space<vmem>> -> memref<80x128xf32, #tpu.memory_space<vmem>>
        tpu.enqueue_dma source(%dma_start3A_108 : memref<80x128xf32, #tpu.memory_space<vmem>>) target(%dma_start3A_105 : memref<80x128xf32, #tpu.memory_space<vmem_shared>>) target_semaphore(%run_scoped3A : memref<!tpu.dma_semaphore, #tpu.memory_space<semaphore_mem>>)
        %dma_wait3A_109 = arith.constant 0 : i32
        %dma_wait3A_110 = arith.constant 0 : i32
        %dma_wait3A_111 = tpu.memref_slice %arg10[%dma_wait3A_109, %dma_wait3A_110] : memref<128x128xf32, #tpu.memory_space<vmem>> -> memref<80x128xf32, #tpu.memory_space<vmem>>
        %dma_wait3A_112 = arith.constant 0 : i32
        %dma_wait3A_113 = tpu.memref_slice %arg13[%mul3A_97, %dma_wait3A_112] : memref<10000x128xf32, #tpu.memory_space<vmem_shared>> -> memref<80x128xf32, #tpu.memory_space<vmem_shared>>
        %dma_wait3A_114 = arith.constant 0 : i32
        %dma_wait3A_115 = tpu.memref_slice %arg13[%mul3A_97, %dma_wait3A_114] : memref<10000x128xf32, #tpu.memory_space<vmem_shared>> -> memref<80x128xf32, #tpu.memory_space<vmem_shared>>
        %dma_wait3A_116 = arith.constant 0 : i32
        %dma_wait3A_117 = arith.constant 0 : i32
        %dma_wait3A_118 = tpu.memref_slice %arg10[%dma_wait3A_116, %dma_wait3A_117] : memref<128x128xf32, #tpu.memory_space<vmem>> -> memref<80x128xf32, #tpu.memory_space<vmem>>
        tpu.wait_dma2 semaphore(%run_scoped3A : memref<!tpu.dma_semaphore, #tpu.memory_space<semaphore_mem>>) src(%dma_wait3A_118 : memref<80x128xf32, #tpu.memory_space<vmem>>) dst(%dma_wait3A_115 : memref<80x128xf32, #tpu.memory_space<vmem_shared>>)
        tpu.yield
      }) : () -> ()
      %while3A_98 = arith.constant 0 : i32
      scf.yield %while3A_98 : i32
    }
    %while3A_41 = arith.constant 1 : i32
    %while3A_42 = scf.for %while3A_91 = %while3A_38 to %while3A_34 step %while3A_41 iter_args(%while3A_92 = %while3A_40) -> (i32)  : i32 {
      %mul3A_93 = arith.constant 16 : i32
      %mul3A_94 = arith.muli %while3A_91, %mul3A_93 : i32
      %add3A_95 = arith.addi %arg1, %mul3A_94 : i32
      %mul3A_96 = arith.constant 80 : i32
      %mul3A_97 = arith.muli %add3A_95, %mul3A_96 : i32
      "tpu.region"() ({
        %run_scoped3A = tpu.sem_alloc : memref<!tpu.dma_semaphore, #tpu.memory_space<semaphore_mem>>
        %dma_start3A_99 = arith.constant 0 : i32
        %dma_start3A_100 = arith.constant 0 : i32
        %dma_start3A_101 = tpu.memref_slice %arg10[%dma_start3A_99, %dma_start3A_100] : memref<128x128xf32, #tpu.memory_space<vmem>> -> memref<80x128xf32, #tpu.memory_space<vmem>>
        %dma_start3A_102 = arith.constant 0 : i32
        %dma_start3A_103 = tpu.memref_slice %arg13[%mul3A_97, %dma_start3A_102] : memref<10000x128xf32, #tpu.memory_space<vmem_shared>> -> memref<80x128xf32, #tpu.memory_space<vmem_shared>>
        %dma_start3A_104 = arith.constant 0 : i32
        %dma_start3A_105 = tpu.memref_slice %arg13[%mul3A_97, %dma_start3A_104] : memref<10000x128xf32, #tpu.memory_space<vmem_shared>> -> memref<80x128xf32, #tpu.memory_space<vmem_shared>>
        %dma_start3A_106 = arith.constant 0 : i32
        %dma_start3A_107 = arith.constant 0 : i32
        %dma_start3A_108 = tpu.memref_slice %arg10[%dma_start3A_106, %dma_start3A_107] : memref<128x128xf32, #tpu.memory_space<vmem>> -> memref<80x128xf32, #tpu.memory_space<vmem>>
        tpu.enqueue_dma source(%dma_start3A_108 : memref<80x128xf32, #tpu.memory_space<vmem>>) target(%dma_start3A_105 : memref<80x128xf32, #tpu.memory_space<vmem_shared>>) target_semaphore(%run_scoped3A : memref<!tpu.dma_semaphore, #tpu.memory_space<semaphore_mem>>)
        %dma_wait3A_109 = arith.constant 0 : i32
        %dma_wait3A_110 = arith.constant 0 : i32
        %dma_wait3A_111 = tpu.memref_slice %arg10[%dma_wait3A_109, %dma_wait3A_110] : memref<128x128xf32, #tpu.memory_space<vmem>> -> memref<80x128xf32, #tpu.memory_space<vmem>>
        %dma_wait3A_112 = arith.constant 0 : i32
        %dma_wait3A_113 = tpu.memref_slice %arg13[%mul3A_97, %dma_wait3A_112] : memref<10000x128xf32, #tpu.memory_space<vmem_shared>> -> memref<80x128xf32, #tpu.memory_space<vmem_shared>>
        %dma_wait3A_114 = arith.constant 0 : i32
        %dma_wait3A_115 = tpu.memref_slice %arg13[%mul3A_97, %dma_wait3A_114] : memref<10000x128xf32, #tpu.memory_space<vmem_shared>> -> memref<80x128xf32, #tpu.memory_space<vmem_shared>>
        %dma_wait3A_116 = arith.constant 0 : i32
        %dma_wait3A_117 = arith.constant 0 : i32
        %dma_wait3A_118 = tpu.memref_slice %arg10[%dma_wait3A_116, %dma_wait3A_117] : memref<128x128xf32, #tpu.memory_space<vmem>> -> memref<80x128xf32, #tpu.memory_space<vmem>>
        tpu.wait_dma2 semaphore(%run_scoped3A : memref<!tpu.dma_semaphore, #tpu.memory_space<semaphore_mem>>) src(%dma_wait3A_118 : memref<80x128xf32, #tpu.memory_space<vmem>>) dst(%dma_wait3A_115 : memref<80x128xf32, #tpu.memory_space<vmem_shared>>)
        tpu.yield
      }) : () -> ()
      %while3A_98 = arith.constant 0 : i32
      scf.yield %while3A_98 : i32
    }
    %barrier3A = arith.constant 0 : index
    tpu.barrier barrier_id(%barrier3A)
    %dma_start3A = arith.constant 0 : i32
    %dma_start3A_43 = tpu.memref_slice %arg6[%dma_start3A] : memref<10000xi32, #tpu.memory_space<vmem>> -> memref<128xi32, #tpu.memory_space<vmem>>
    %dma_start3A_44 = arith.constant 0 : i32
    %dma_start3A_45 = arith.constant 0 : i32
    %dma_start3A_46 = tpu.memref_slice %arg2[%dma_start3A_44, %dma_start3A_45] : memref<10000x128xf32, #tpu.memory_space<hbm>> -> memref<10000x128xf32, #tpu.memory_space<hbm>>
    tpu.enqueue_indirect_dma source(%dma_start3A_46 : memref<10000x128xf32, #tpu.memory_space<hbm>>) target(%arg10 : memref<128x128xf32, #tpu.memory_space<vmem>>) offsets(%dma_start3A_43 : memref<128xi32, #tpu.memory_space<vmem>>) semaphore(%arg14 : memref<!tpu.dma_semaphore, #tpu.memory_space<semaphore_mem>>)
    %add3A_47 = arith.constant 0 : i32
    %add3A_48 = arith.addi %mul3A_2, %add3A_47 : i32
    %dma_start3A_49 = tpu.memref_slice %arg4[%add3A_48] : memref<320000xi32, #tpu.memory_space<hbm>> -> memref<128xi32, #tpu.memory_space<hbm>>
    %dma_start3A_50 = tpu.memref_slice %arg4[%add3A_48] : memref<320000xi32, #tpu.memory_space<hbm>> -> memref<128xi32, #tpu.memory_space<hbm>>
    tpu.enqueue_dma source(%dma_start3A_50 : memref<128xi32, #tpu.memory_space<hbm>>) target(%arg7 : memref<128xi32, #tpu.memory_space<vmem>>) target_semaphore(%arg16 : memref<!tpu.dma_semaphore, #tpu.memory_space<semaphore_mem>>)
    %dma_start3A_51 = arith.constant 128 : i32
    %dma_start3A_52 = tpu.memref_slice %arg6[%dma_start3A_51] : memref<10000xi32, #tpu.memory_space<vmem>> -> memref<128xi32, #tpu.memory_space<vmem>>
    %dma_start3A_53 = arith.constant 0 : i32
    %dma_start3A_54 = arith.constant 0 : i32
    %dma_start3A_55 = tpu.memref_slice %arg2[%dma_start3A_53, %dma_start3A_54] : memref<10000x128xf32, #tpu.memory_space<hbm>> -> memref<10000x128xf32, #tpu.memory_space<hbm>>
    tpu.enqueue_indirect_dma source(%dma_start3A_55 : memref<10000x128xf32, #tpu.memory_space<hbm>>) target(%arg11 : memref<128x128xf32, #tpu.memory_space<vmem>>) offsets(%dma_start3A_52 : memref<128xi32, #tpu.memory_space<vmem>>) semaphore(%arg15 : memref<!tpu.dma_semaphore, #tpu.memory_space<semaphore_mem>>)
    %add3A_56 = arith.constant 128 : i32
    %add3A_57 = arith.addi %mul3A_2, %add3A_56 : i32
    %dma_start3A_58 = tpu.memref_slice %arg4[%add3A_57] : memref<320000xi32, #tpu.memory_space<hbm>> -> memref<128xi32, #tpu.memory_space<hbm>>
    %dma_start3A_59 = tpu.memref_slice %arg4[%add3A_57] : memref<320000xi32, #tpu.memory_space<hbm>> -> memref<128xi32, #tpu.memory_space<hbm>>
    tpu.enqueue_dma source(%dma_start3A_59 : memref<128xi32, #tpu.memory_space<hbm>>) target(%arg8 : memref<128xi32, #tpu.memory_space<vmem>>) target_semaphore(%arg17 : memref<!tpu.dma_semaphore, #tpu.memory_space<semaphore_mem>>)
    %scan3A_60 = arith.constant 0 : i32
    %scan3A_61 = arith.constant 0 : i32
    %scan3A_62 = arith.constant 39 : i32
    %scan3A_63 = arith.addi %scan3A_61, %scan3A_62 : i32
    %scan3A_64 = arith.constant 1 : i32
    %scan3A_65 = scf.for %scan3A_91 = %scan3A_61 to %scan3A_63 step %scan3A_64 iter_args(%scan3A_92 = %scan3A_60) -> (i32)  : i32 {
      %mul3A_93 = arith.constant 2 : i32
      %mul3A_94 = arith.muli %mul3A_93, %scan3A_91 : i32
      %mul3A_95 = arith.constant 128 : i32
      %mul3A_96 = arith.muli %mul3A_94, %mul3A_95 : i32
      %dma_wait3A_97 = tpu.memref_slice %arg6[%mul3A_96] : memref<10000xi32, #tpu.memory_space<vmem>> -> memref<128xi32, #tpu.memory_space<vmem>>
      %dma_wait3A_98 = arith.constant 0 : i32
      %dma_wait3A_99 = arith.constant 0 : i32
      %dma_wait3A_100 = tpu.memref_slice %arg2[%dma_wait3A_98, %dma_wait3A_99] : memref<10000x128xf32, #tpu.memory_space<hbm>> -> memref<10000x128xf32, #tpu.memory_space<hbm>>
      tpu.wait_indirect_dma semaphore(%arg14 : memref<!tpu.dma_semaphore, #tpu.memory_space<semaphore_mem>>) src(%dma_wait3A_100 : memref<10000x128xf32, #tpu.memory_space<hbm>>) dst(%arg10 : memref<128x128xf32, #tpu.memory_space<vmem>>)
      %mul3A_101 = arith.constant 128 : i32
      %mul3A_102 = arith.muli %mul3A_94, %mul3A_101 : i32
      %add3A_103 = arith.addi %mul3A_2, %mul3A_102 : i32
      %dma_wait3A_104 = tpu.memref_slice %arg4[%add3A_103] : memref<320000xi32, #tpu.memory_space<hbm>> -> memref<128xi32, #tpu.memory_space<hbm>>
      %dma_wait3A_105 = tpu.memref_slice %arg4[%add3A_103] : memref<320000xi32, #tpu.memory_space<hbm>> -> memref<128xi32, #tpu.memory_space<hbm>>
      tpu.wait_dma2 semaphore(%arg16 : memref<!tpu.dma_semaphore, #tpu.memory_space<semaphore_mem>>) src(%dma_wait3A_105 : memref<128xi32, #tpu.memory_space<hbm>>) dst(%arg7 : memref<128xi32, #tpu.memory_space<vmem>>)
      %lt3A = arith.constant 38 : i32
      %lt3A_106 = arith.cmpi slt, %scan3A_91, %lt3A : i32
      %convert_element_type3A = arith.extui %lt3A_106 : i1 to i32
      %cond3A = arith.constant 0 : i32
      %cond3A_107 = arith.cmpi ne, %convert_element_type3A, %cond3A : i32
      scf.if %cond3A_107 {
        %add3A_129 = arith.constant 2 : i32
        %add3A_130 = arith.addi %mul3A_94, %add3A_129 : i32
        %mul3A_131 = arith.constant 128 : i32
        %mul3A_132 = arith.muli %add3A_130, %mul3A_131 : i32
        %dma_start3A_133 = tpu.memref_slice %arg6[%mul3A_132] : memref<10000xi32, #tpu.memory_space<vmem>> -> memref<128xi32, #tpu.memory_space<vmem>>
        %dma_start3A_134 = arith.constant 0 : i32
        %dma_start3A_135 = arith.constant 0 : i32
        %dma_start3A_136 = tpu.memref_slice %arg2[%dma_start3A_134, %dma_start3A_135] : memref<10000x128xf32, #tpu.memory_space<hbm>> -> memref<10000x128xf32, #tpu.memory_space<hbm>>
        tpu.enqueue_indirect_dma source(%dma_start3A_136 : memref<10000x128xf32, #tpu.memory_space<hbm>>) target(%arg10 : memref<128x128xf32, #tpu.memory_space<vmem>>) offsets(%dma_start3A_133 : memref<128xi32, #tpu.memory_space<vmem>>) semaphore(%arg14 : memref<!tpu.dma_semaphore, #tpu.memory_space<semaphore_mem>>)
        %add3A_137 = arith.constant 2 : i32
        %add3A_138 = arith.addi %mul3A_94, %add3A_137 : i32
        %mul3A_139 = arith.constant 128 : i32
        %mul3A_140 = arith.muli %add3A_138, %mul3A_139 : i32
        %add3A_141 = arith.addi %mul3A_2, %mul3A_140 : i32
        %dma_start3A_142 = tpu.memref_slice %arg4[%add3A_141] : memref<320000xi32, #tpu.memory_space<hbm>> -> memref<128xi32, #tpu.memory_space<hbm>>
        %dma_start3A_143 = tpu.memref_slice %arg4[%add3A_141] : memref<320000xi32, #tpu.memory_space<hbm>> -> memref<128xi32, #tpu.memory_space<hbm>>
        tpu.enqueue_dma source(%dma_start3A_143 : memref<128xi32, #tpu.memory_space<hbm>>) target(%arg7 : memref<128xi32, #tpu.memory_space<vmem>>) target_semaphore(%arg16 : memref<!tpu.dma_semaphore, #tpu.memory_space<semaphore_mem>>)
      } else {
      }
      "tpu.region"() ({
        %run_scoped3A = tpu.sem_alloc : memref<!tpu.dma_semaphore, #tpu.memory_space<semaphore_mem>>
        %dma_start3A_129 = arith.constant 0 : i32
        %dma_start3A_130 = arith.constant 0 : i32
        %dma_start3A_131 = tpu.memref_slice %arg13[%dma_start3A_129, %dma_start3A_130] : memref<10000x128xf32, #tpu.memory_space<vmem_shared>> -> memref<10000x128xf32, #tpu.memory_space<vmem_shared>>
        tpu.enqueue_indirect_dma source(%arg10 : memref<128x128xf32, #tpu.memory_space<vmem>>) target(%dma_start3A_131 : memref<10000x128xf32, #tpu.memory_space<vmem_shared>>) offsets(%arg7 : memref<128xi32, #tpu.memory_space<vmem>>) semaphore(%run_scoped3A : memref<!tpu.dma_semaphore, #tpu.memory_space<semaphore_mem>>) {add = true}
        %dma_wait3A_132 = arith.constant 0 : i32
        %dma_wait3A_133 = arith.constant 0 : i32
        %dma_wait3A_134 = tpu.memref_slice %arg13[%dma_wait3A_132, %dma_wait3A_133] : memref<10000x128xf32, #tpu.memory_space<vmem_shared>> -> memref<10000x128xf32, #tpu.memory_space<vmem_shared>>
        tpu.wait_indirect_dma semaphore(%run_scoped3A : memref<!tpu.dma_semaphore, #tpu.memory_space<semaphore_mem>>) src(%arg10 : memref<128x128xf32, #tpu.memory_space<vmem>>) dst(%dma_wait3A_134 : memref<10000x128xf32, #tpu.memory_space<vmem_shared>>)
        tpu.yield
      }) : () -> ()
      %add3A_108 = arith.constant 1 : i32
      %add3A_109 = arith.addi %mul3A_94, %add3A_108 : i32
      %mul3A_110 = arith.constant 128 : i32
      %mul3A_111 = arith.muli %add3A_109, %mul3A_110 : i32
      %dma_wait3A_112 = tpu.memref_slice %arg6[%mul3A_111] : memref<10000xi32, #tpu.memory_space<vmem>> -> memref<128xi32, #tpu.memory_space<vmem>>
      %dma_wait3A_113 = arith.constant 0 : i32
      %dma_wait3A_114 = arith.constant 0 : i32
      %dma_wait3A_115 = tpu.memref_slice %arg2[%dma_wait3A_113, %dma_wait3A_114] : memref<10000x128xf32, #tpu.memory_space<hbm>> -> memref<10000x128xf32, #tpu.memory_space<hbm>>
      tpu.wait_indirect_dma semaphore(%arg15 : memref<!tpu.dma_semaphore, #tpu.memory_space<semaphore_mem>>) src(%dma_wait3A_115 : memref<10000x128xf32, #tpu.memory_space<hbm>>) dst(%arg11 : memref<128x128xf32, #tpu.memory_space<vmem>>)
      %add3A_116 = arith.constant 1 : i32
      %add3A_117 = arith.addi %mul3A_94, %add3A_116 : i32
      %mul3A_118 = arith.constant 128 : i32
      %mul3A_119 = arith.muli %add3A_117, %mul3A_118 : i32
      %add3A_120 = arith.addi %mul3A_2, %mul3A_119 : i32
      %dma_wait3A_121 = tpu.memref_slice %arg4[%add3A_120] : memref<320000xi32, #tpu.memory_space<hbm>> -> memref<128xi32, #tpu.memory_space<hbm>>
      %dma_wait3A_122 = tpu.memref_slice %arg4[%add3A_120] : memref<320000xi32, #tpu.memory_space<hbm>> -> memref<128xi32, #tpu.memory_space<hbm>>
      tpu.wait_dma2 semaphore(%arg17 : memref<!tpu.dma_semaphore, #tpu.memory_space<semaphore_mem>>) src(%dma_wait3A_122 : memref<128xi32, #tpu.memory_space<hbm>>) dst(%arg8 : memref<128xi32, #tpu.memory_space<vmem>>)
      %lt3A_123 = arith.constant 38 : i32
      %lt3A_124 = arith.cmpi slt, %scan3A_91, %lt3A_123 : i32
      %convert_element_type3A_125 = arith.extui %lt3A_124 : i1 to i32
      %cond3A_126 = arith.constant 0 : i32
      %cond3A_127 = arith.cmpi ne, %convert_element_type3A_125, %cond3A_126 : i32
      scf.if %cond3A_127 {
        %add3A_129 = arith.constant 3 : i32
        %add3A_130 = arith.addi %mul3A_94, %add3A_129 : i32
        %mul3A_131 = arith.constant 128 : i32
        %mul3A_132 = arith.muli %add3A_130, %mul3A_131 : i32
        %dma_start3A_133 = tpu.memref_slice %arg6[%mul3A_132] : memref<10000xi32, #tpu.memory_space<vmem>> -> memref<128xi32, #tpu.memory_space<vmem>>
        %dma_start3A_134 = arith.constant 0 : i32
        %dma_start3A_135 = arith.constant 0 : i32
        %dma_start3A_136 = tpu.memref_slice %arg2[%dma_start3A_134, %dma_start3A_135] : memref<10000x128xf32, #tpu.memory_space<hbm>> -> memref<10000x128xf32, #tpu.memory_space<hbm>>
        tpu.enqueue_indirect_dma source(%dma_start3A_136 : memref<10000x128xf32, #tpu.memory_space<hbm>>) target(%arg11 : memref<128x128xf32, #tpu.memory_space<vmem>>) offsets(%dma_start3A_133 : memref<128xi32, #tpu.memory_space<vmem>>) semaphore(%arg15 : memref<!tpu.dma_semaphore, #tpu.memory_space<semaphore_mem>>)
        %add3A_137 = arith.constant 3 : i32
        %add3A_138 = arith.addi %mul3A_94, %add3A_137 : i32
        %mul3A_139 = arith.constant 128 : i32
        %mul3A_140 = arith.muli %add3A_138, %mul3A_139 : i32
        %add3A_141 = arith.addi %mul3A_2, %mul3A_140 : i32
        %dma_start3A_142 = tpu.memref_slice %arg4[%add3A_141] : memref<320000xi32, #tpu.memory_space<hbm>> -> memref<128xi32, #tpu.memory_space<hbm>>
        %dma_start3A_143 = tpu.memref_slice %arg4[%add3A_141] : memref<320000xi32, #tpu.memory_space<hbm>> -> memref<128xi32, #tpu.memory_space<hbm>>
        tpu.enqueue_dma source(%dma_start3A_143 : memref<128xi32, #tpu.memory_space<hbm>>) target(%arg8 : memref<128xi32, #tpu.memory_space<vmem>>) target_semaphore(%arg17 : memref<!tpu.dma_semaphore, #tpu.memory_space<semaphore_mem>>)
      } else {
      }
      "tpu.region"() ({
        %run_scoped3A = tpu.sem_alloc : memref<!tpu.dma_semaphore, #tpu.memory_space<semaphore_mem>>
        %dma_start3A_129 = arith.constant 0 : i32
        %dma_start3A_130 = arith.constant 0 : i32
        %dma_start3A_131 = tpu.memref_slice %arg13[%dma_start3A_129, %dma_start3A_130] : memref<10000x128xf32, #tpu.memory_space<vmem_shared>> -> memref<10000x128xf32, #tpu.memory_space<vmem_shared>>
        tpu.enqueue_indirect_dma source(%arg11 : memref<128x128xf32, #tpu.memory_space<vmem>>) target(%dma_start3A_131 : memref<10000x128xf32, #tpu.memory_space<vmem_shared>>) offsets(%arg8 : memref<128xi32, #tpu.memory_space<vmem>>) semaphore(%run_scoped3A : memref<!tpu.dma_semaphore, #tpu.memory_space<semaphore_mem>>) {add = true}
        %dma_wait3A_132 = arith.constant 0 : i32
        %dma_wait3A_133 = arith.constant 0 : i32
        %dma_wait3A_134 = tpu.memref_slice %arg13[%dma_wait3A_132, %dma_wait3A_133] : memref<10000x128xf32, #tpu.memory_space<vmem_shared>> -> memref<10000x128xf32, #tpu.memory_space<vmem_shared>>
        tpu.wait_indirect_dma semaphore(%run_scoped3A : memref<!tpu.dma_semaphore, #tpu.memory_space<semaphore_mem>>) src(%arg11 : memref<128x128xf32, #tpu.memory_space<vmem>>) dst(%dma_wait3A_134 : memref<10000x128xf32, #tpu.memory_space<vmem_shared>>)
        tpu.yield
      }) : () -> ()
      %scan3A_128 = arith.constant 0 : i32
      scf.yield %scan3A_128 : i32
    }
    %scan3A_66 = arith.constant 39 : i32
    %dma_start3A_67 = arith.constant 9984 : i32
    %dma_start3A_68 = tpu.memref_slice %arg6[%dma_start3A_67] : memref<10000xi32, #tpu.memory_space<vmem>> -> memref<16xi32, #tpu.memory_space<vmem>>
    %dma_start3A_69 = arith.constant 0 : i32
    %dma_start3A_70 = arith.constant 0 : i32
    %dma_start3A_71 = tpu.memref_slice %arg2[%dma_start3A_69, %dma_start3A_70] : memref<10000x128xf32, #tpu.memory_space<hbm>> -> memref<10000x128xf32, #tpu.memory_space<hbm>>
    tpu.enqueue_indirect_dma source(%dma_start3A_71 : memref<10000x128xf32, #tpu.memory_space<hbm>>) target(%arg12 : memref<16x128xf32, #tpu.memory_space<vmem>>) offsets(%dma_start3A_68 : memref<16xi32, #tpu.memory_space<vmem>>) semaphore(%arg14 : memref<!tpu.dma_semaphore, #tpu.memory_space<semaphore_mem>>)
    %add3A_72 = arith.constant 9984 : i32
    %add3A_73 = arith.addi %mul3A_2, %add3A_72 : i32
    "tpu.region"() ({
      %run_scoped3A = tpu.sem_alloc : memref<!tpu.dma_semaphore, #tpu.memory_space<semaphore_mem>>
      %dma_start3A_91 = tpu.memref_slice %arg4[%add3A_73] : memref<320000xi32, #tpu.memory_space<hbm>> -> memref<16xi32, #tpu.memory_space<hbm>>
      %dma_start3A_92 = tpu.memref_slice %arg4[%add3A_73] : memref<320000xi32, #tpu.memory_space<hbm>> -> memref<16xi32, #tpu.memory_space<hbm>>
      tpu.enqueue_dma source(%dma_start3A_92 : memref<16xi32, #tpu.memory_space<hbm>>) target(%arg9 : memref<16xi32, #tpu.memory_space<vmem>>) target_semaphore(%run_scoped3A : memref<!tpu.dma_semaphore, #tpu.memory_space<semaphore_mem>>)
      %dma_wait3A_93 = tpu.memref_slice %arg4[%add3A_73] : memref<320000xi32, #tpu.memory_space<hbm>> -> memref<16xi32, #tpu.memory_space<hbm>>
      %dma_wait3A_94 = tpu.memref_slice %arg4[%add3A_73] : memref<320000xi32, #tpu.memory_space<hbm>> -> memref<16xi32, #tpu.memory_space<hbm>>
      tpu.wait_dma2 semaphore(%run_scoped3A : memref<!tpu.dma_semaphore, #tpu.memory_space<semaphore_mem>>) src(%dma_wait3A_94 : memref<16xi32, #tpu.memory_space<hbm>>) dst(%arg9 : memref<16xi32, #tpu.memory_space<vmem>>)
      tpu.yield
    }) : () -> ()
    %dma_wait3A = arith.constant 9984 : i32
    %dma_wait3A_74 = tpu.memref_slice %arg6[%dma_wait3A] : memref<10000xi32, #tpu.memory_space<vmem>> -> memref<16xi32, #tpu.memory_space<vmem>>
    %dma_wait3A_75 = arith.constant 0 : i32
    %dma_wait3A_76 = arith.constant 0 : i32
    %dma_wait3A_77 = tpu.memref_slice %arg2[%dma_wait3A_75, %dma_wait3A_76] : memref<10000x128xf32, #tpu.memory_space<hbm>> -> memref<10000x128xf32, #tpu.memory_space<hbm>>
    tpu.wait_indirect_dma semaphore(%arg14 : memref<!tpu.dma_semaphore, #tpu.memory_space<semaphore_mem>>) src(%dma_wait3A_77 : memref<10000x128xf32, #tpu.memory_space<hbm>>) dst(%arg12 : memref<16x128xf32, #tpu.memory_space<vmem>>)
    "tpu.region"() ({
      %run_scoped3A = tpu.sem_alloc : memref<!tpu.dma_semaphore, #tpu.memory_space<semaphore_mem>>
      %dma_start3A_91 = arith.constant 0 : i32
      %dma_start3A_92 = arith.constant 0 : i32
      %dma_start3A_93 = tpu.memref_slice %arg13[%dma_start3A_91, %dma_start3A_92] : memref<10000x128xf32, #tpu.memory_space<vmem_shared>> -> memref<10000x128xf32, #tpu.memory_space<vmem_shared>>
      tpu.enqueue_indirect_dma source(%arg12 : memref<16x128xf32, #tpu.memory_space<vmem>>) target(%dma_start3A_93 : memref<10000x128xf32, #tpu.memory_space<vmem_shared>>) offsets(%arg9 : memref<16xi32, #tpu.memory_space<vmem>>) semaphore(%run_scoped3A : memref<!tpu.dma_semaphore, #tpu.memory_space<semaphore_mem>>) {add = true}
      %dma_wait3A_94 = arith.constant 0 : i32
      %dma_wait3A_95 = arith.constant 0 : i32
      %dma_wait3A_96 = tpu.memref_slice %arg13[%dma_wait3A_94, %dma_wait3A_95] : memref<10000x128xf32, #tpu.memory_space<vmem_shared>> -> memref<10000x128xf32, #tpu.memory_space<vmem_shared>>
      tpu.wait_indirect_dma semaphore(%run_scoped3A : memref<!tpu.dma_semaphore, #tpu.memory_space<semaphore_mem>>) src(%arg12 : memref<16x128xf32, #tpu.memory_space<vmem>>) dst(%dma_wait3A_96 : memref<10000x128xf32, #tpu.memory_space<vmem_shared>>)
      tpu.yield
    }) : () -> ()
    %barrier3A_78 = arith.constant 0 : index
    tpu.barrier barrier_id(%barrier3A_78)
    %while3A_79 = arith.constant 0 : i32
    %while3A_80 = arith.constant 0 : i32
    %while3A_81 = arith.subi %select_n3A, %while3A_79 : i32
    %while3A_82 = arith.addi %while3A_79, %while3A_81 : i32
    %while3A_83 = arith.constant 1 : i32
    %while3A_84 = arith.divsi %while3A_81, %while3A_83 : i32
    %while3A_85 = arith.muli %while3A_84, %while3A_83 : i32
    %while3A_86 = arith.addi %while3A_79, %while3A_85 : i32
    %while3A_87 = arith.constant 1 : i32
    %while3A_88 = scf.for %while3A_91 = %while3A_79 to %while3A_86 step %while3A_87 iter_args(%while3A_92 = %while3A_80) -> (i32)  : i32 {
      %mul3A_93 = arith.constant 16 : i32
      %mul3A_94 = arith.muli %while3A_91, %mul3A_93 : i32
      %add3A_95 = arith.addi %arg1, %mul3A_94 : i32
      %mul3A_96 = arith.constant 80 : i32
      %mul3A_97 = arith.muli %add3A_95, %mul3A_96 : i32
      "tpu.region"() ({
        %run_scoped3A = tpu.sem_alloc : memref<!tpu.dma_semaphore, #tpu.memory_space<semaphore_mem>>
        %dma_start3A_99 = arith.constant 0 : i32
        %dma_start3A_100 = tpu.memref_slice %arg5[%arg0, %mul3A_97, %dma_start3A_99] : memref<2x10000x128xf32, #tpu.memory_space<hbm>> -> memref<1x80x128xf32, #tpu.memory_space<hbm>>
        %dma_start3A_101 = tpu.memref_squeeze %dma_start3A_100 : memref<1x80x128xf32, #tpu.memory_space<hbm>> -> memref<80x128xf32, #tpu.memory_space<hbm>>
        %dma_start3A_102 = arith.constant 0 : i32
        %dma_start3A_103 = tpu.memref_slice %arg13[%mul3A_97, %dma_start3A_102] : memref<10000x128xf32, #tpu.memory_space<vmem_shared>> -> memref<80x128xf32, #tpu.memory_space<vmem_shared>>
        tpu.enqueue_dma source(%dma_start3A_103 : memref<80x128xf32, #tpu.memory_space<vmem_shared>>) target(%dma_start3A_101 : memref<80x128xf32, #tpu.memory_space<hbm>>) target_semaphore(%run_scoped3A : memref<!tpu.dma_semaphore, #tpu.memory_space<semaphore_mem>>)
        %dma_wait3A_104 = arith.constant 0 : i32
        %dma_wait3A_105 = tpu.memref_slice %arg5[%arg0, %mul3A_97, %dma_wait3A_104] : memref<2x10000x128xf32, #tpu.memory_space<hbm>> -> memref<1x80x128xf32, #tpu.memory_space<hbm>>
        %dma_wait3A_106 = tpu.memref_squeeze %dma_wait3A_105 : memref<1x80x128xf32, #tpu.memory_space<hbm>> -> memref<80x128xf32, #tpu.memory_space<hbm>>
        %dma_wait3A_107 = arith.constant 0 : i32
        %dma_wait3A_108 = tpu.memref_slice %arg13[%mul3A_97, %dma_wait3A_107] : memref<10000x128xf32, #tpu.memory_space<vmem_shared>> -> memref<80x128xf32, #tpu.memory_space<vmem_shared>>
        tpu.wait_dma2 semaphore(%run_scoped3A : memref<!tpu.dma_semaphore, #tpu.memory_space<semaphore_mem>>) src(%dma_wait3A_108 : memref<80x128xf32, #tpu.memory_space<vmem_shared>>) dst(%dma_wait3A_106 : memref<80x128xf32, #tpu.memory_space<hbm>>)
        tpu.yield
      }) : () -> ()
      %while3A_98 = arith.constant 0 : i32
      scf.yield %while3A_98 : i32
    }
    %while3A_89 = arith.constant 1 : i32
    %while3A_90 = scf.for %while3A_91 = %while3A_86 to %while3A_82 step %while3A_89 iter_args(%while3A_92 = %while3A_88) -> (i32)  : i32 {
      %mul3A_93 = arith.constant 16 : i32
      %mul3A_94 = arith.muli %while3A_91, %mul3A_93 : i32
      %add3A_95 = arith.addi %arg1, %mul3A_94 : i32
      %mul3A_96 = arith.constant 80 : i32
      %mul3A_97 = arith.muli %add3A_95, %mul3A_96 : i32
      "tpu.region"() ({
        %run_scoped3A = tpu.sem_alloc : memref<!tpu.dma_semaphore, #tpu.memory_space<semaphore_mem>>
        %dma_start3A_99 = arith.constant 0 : i32
        %dma_start3A_100 = tpu.memref_slice %arg5[%arg0, %mul3A_97, %dma_start3A_99] : memref<2x10000x128xf32, #tpu.memory_space<hbm>> -> memref<1x80x128xf32, #tpu.memory_space<hbm>>
        %dma_start3A_101 = tpu.memref_squeeze %dma_start3A_100 : memref<1x80x128xf32, #tpu.memory_space<hbm>> -> memref<80x128xf32, #tpu.memory_space<hbm>>
        %dma_start3A_102 = arith.constant 0 : i32
        %dma_start3A_103 = tpu.memref_slice %arg13[%mul3A_97, %dma_start3A_102] : memref<10000x128xf32, #tpu.memory_space<vmem_shared>> -> memref<80x128xf32, #tpu.memory_space<vmem_shared>>
        tpu.enqueue_dma source(%dma_start3A_103 : memref<80x128xf32, #tpu.memory_space<vmem_shared>>) target(%dma_start3A_101 : memref<80x128xf32, #tpu.memory_space<hbm>>) target_semaphore(%run_scoped3A : memref<!tpu.dma_semaphore, #tpu.memory_space<semaphore_mem>>)
        %dma_wait3A_104 = arith.constant 0 : i32
        %dma_wait3A_105 = tpu.memref_slice %arg5[%arg0, %mul3A_97, %dma_wait3A_104] : memref<2x10000x128xf32, #tpu.memory_space<hbm>> -> memref<1x80x128xf32, #tpu.memory_space<hbm>>
        %dma_wait3A_106 = tpu.memref_squeeze %dma_wait3A_105 : memref<1x80x128xf32, #tpu.memory_space<hbm>> -> memref<80x128xf32, #tpu.memory_space<hbm>>
        %dma_wait3A_107 = arith.constant 0 : i32
        %dma_wait3A_108 = tpu.memref_slice %arg13[%mul3A_97, %dma_wait3A_107] : memref<10000x128xf32, #tpu.memory_space<vmem_shared>> -> memref<80x128xf32, #tpu.memory_space<vmem_shared>>
        tpu.wait_dma2 semaphore(%run_scoped3A : memref<!tpu.dma_semaphore, #tpu.memory_space<semaphore_mem>>) src(%dma_wait3A_108 : memref<80x128xf32, #tpu.memory_space<vmem_shared>>) dst(%dma_wait3A_106 : memref<80x128xf32, #tpu.memory_space<hbm>>)
        tpu.yield
      }) : () -> ()
      %while3A_98 = arith.constant 0 : i32
      scf.yield %while3A_98 : i32
    }
    return
  }
}

#map = affine_map<(d0, d1) -> (0, 0)>
#map1 = affine_map<(d0, d1) -> (0)>
#map2 = affine_map<(d0, d1) -> (0, 0, 0)>
module attributes {stable_mosaic.version = 14 : i64} {
  func.func @_sc_aggregate_body(%arg0: i32, %arg1: i32, %arg2: memref<10000x128xf32, #tpu.memory_space<hbm>>, %arg3: memref<320000xi32, #tpu.memory_space<hbm>>, %arg4: memref<320000xi32, #tpu.memory_space<hbm>>, %arg5: memref<2x10000x128xf32, #tpu.memory_space<hbm>>, %arg6: memref<10000xi32, #tpu.memory_space<vmem>>, %arg7: memref<128xi32, #tpu.memory_space<vmem>>, %arg8: memref<128xi32, #tpu.memory_space<vmem>>, %arg9: memref<16xi32, #tpu.memory_space<vmem>>, %arg10: memref<128x128xf32, #tpu.memory_space<vmem>>, %arg11: memref<128x128xf32, #tpu.memory_space<vmem>>, %arg12: memref<16x128xf32, #tpu.memory_space<vmem>>, %arg13: memref<10000x128xf32, #tpu.memory_space<vmem_shared>>, %arg14: memref<!tpu.dma_semaphore, #tpu.memory_space<semaphore_mem>>, %arg15: memref<!tpu.dma_semaphore, #tpu.memory_space<semaphore_mem>>, %arg16: memref<!tpu.dma_semaphore, #tpu.memory_space<semaphore_mem>>, %arg17: memref<!tpu.dma_semaphore, #tpu.memory_space<semaphore_mem>>) attributes {dimension_semantics = [#tpu.dimension_semantics<core_parallel>, #tpu.dimension_semantics<subcore_parallel>], iteration_bounds = array<i64: 2, 16>, scalar_prefetch = 0 : i64, scratch_operands = 12 : i64, tpu.core_type = #tpu.core_type<sc_vector_subcore>, window_params = [{transform_indices = #map}, {transform_indices = #map1}, {transform_indices = #map1}, {transform_indices = #map2}]} {
    %mul3A = arith.constant 2 : i32
    %mul3A_0 = arith.muli %arg1, %mul3A : i32
    %add3A = arith.addi %mul3A_0, %arg0 : i32
    %mul3A_1 = arith.constant 10000 : i32
    %mul3A_2 = arith.muli %add3A, %mul3A_1 : i32
    %broadcast_in_dim3A = arith.constant 0.000000e+00 : f32
    %broadcast_in_dim3A_3 = vector.broadcast %broadcast_in_dim3A : f32 to vector<16xf32>
    %scan3A = arith.constant 0 : i32
    %scan3A_4 = arith.constant 0 : i32
    %scan3A_5 = arith.constant 80 : i32
    %scan3A_6 = arith.addi %scan3A_4, %scan3A_5 : i32
    %scan3A_7 = arith.constant 1 : i32
    %scan3A_8 = scf.for %scan3A_91 = %scan3A_4 to %scan3A_6 step %scan3A_7 iter_args(%scan3A_92 = %scan3A) -> (i32)  : i32 {
      %scan3A_93 = arith.constant 0 : i32
      %scan3A_94 = arith.constant 0 : i32
      %scan3A_95 = arith.constant 8 : i32
      %scan3A_96 = arith.addi %scan3A_94, %scan3A_95 : i32
      %scan3A_97 = arith.constant 1 : i32
      %scan3A_98 = scf.for %scan3A_100 = %scan3A_94 to %scan3A_96 step %scan3A_97 iter_args(%scan3A_101 = %scan3A_93) -> (i32)  : i32 {
        %mul3A_102 = arith.constant 16 : i32
        %mul3A_103 = arith.muli %scan3A_100, %mul3A_102 : i32
        %swap3A = arith.index_cast %scan3A_91 : i32 to index
        %swap3A_104 = arith.index_cast %mul3A_103 : i32 to index
        %swap3A_105 = tpu.vector_load %arg10[%swap3A, %swap3A_104] {strides = array<i32>} : memref<128x128xf32, #tpu.memory_space<vmem>>, vector<1x16xf32>,
        %swap3A_106 = vector.shape_cast %swap3A_105 : vector<1x16xf32> to vector<16xf32>
        %swap3A_107 = vector.shape_cast %broadcast_in_dim3A_3 : vector<16xf32> to vector<1x16xf32>
        tpu.vector_store %arg10[%swap3A, %swap3A_104], %swap3A_107 {strides = array<i32>} : memref<128x128xf32, #tpu.memory_space<vmem>>, vector<1x16xf32>,
        %scan3A_108 = arith.constant 0 : i32
        scf.yield %scan3A_108 : i32
      }
      %scan3A_99 = arith.constant 8 : i32
      scf.yield %scan3A_98 : i32
    }
    %scan3A_9 = arith.constant 80 : i32
    "tpu.region"() ({
      %run_scoped3A = tpu.sem_alloc : memref<!tpu.dma_semaphore, #tpu.memory_space<semaphore_mem>>
      %dma_start3A_91 = tpu.memref_slice %arg3[%mul3A_2] : memref<320000xi32, #tpu.memory_space<hbm>> -> memref<10000xi32, #tpu.memory_space<hbm>>
      %dma_start3A_92 = tpu.memref_slice %arg3[%mul3A_2] : memref<320000xi32, #tpu.memory_space<hbm>> -> memref<10000xi32, #tpu.memory_space<hbm>>
      tpu.enqueue_dma source(%dma_start3A_92 : memref<10000xi32, #tpu.memory_space<hbm>>) target(%arg6 : memref<10000xi32, #tpu.memory_space<vmem>>) target_semaphore(%run_scoped3A : memref<!tpu.dma_semaphore, #tpu.memory_space<semaphore_mem>>)
      %dma_wait3A_93 = tpu.memref_slice %arg3[%mul3A_2] : memref<320000xi32, #tpu.memory_space<hbm>> -> memref<10000xi32, #tpu.memory_space<hbm>>
      %dma_wait3A_94 = tpu.memref_slice %arg3[%mul3A_2] : memref<320000xi32, #tpu.memory_space<hbm>> -> memref<10000xi32, #tpu.memory_space<hbm>>
      tpu.wait_dma2 semaphore(%run_scoped3A : memref<!tpu.dma_semaphore, #tpu.memory_space<semaphore_mem>>) src(%dma_wait3A_94 : memref<10000xi32, #tpu.memory_space<hbm>>) dst(%arg6 : memref<10000xi32, #tpu.memory_space<vmem>>)
      tpu.yield
    }) : () -> ()
    %sub3A = arith.constant 125 : i32
    %sub3A_10 = arith.subi %sub3A, %arg1 : i32
    %add3A_11 = arith.constant 16 : i32
    %add3A_12 = arith.addi %sub3A_10, %add3A_11 : i32
    %sub3A_13 = arith.constant 1 : i32
    %sub3A_14 = arith.subi %add3A_12, %sub3A_13 : i32
    %jit3A = arith.constant 16 : i32
    %div3A = arith.divsi %sub3A_14, %jit3A : i32
    %sign3A = arith.constant 0 : i32
    %sign3A_15 = arith.cmpi sgt, %sub3A_14, %sign3A : i32
    %sign3A_16 = arith.extui %sign3A_15 : i1 to i32
    %sign3A_17 = arith.constant 0 : i32
    %sign3A_18 = arith.cmpi slt, %sub3A_14, %sign3A_17 : i32
    %sign3A_19 = arith.extui %sign3A_18 : i1 to i32
    %sign3A_20 = arith.subi %sign3A_16, %sign3A_19 : i32
    %sign3A_21 = arith.constant 0 : i32
    %sign3A_22 = arith.cmpi sgt, %jit3A, %sign3A_21 : i32
    %sign3A_23 = arith.extui %sign3A_22 : i1 to i32
    %sign3A_24 = arith.constant 0 : i32
    %sign3A_25 = arith.cmpi slt, %jit3A, %sign3A_24 : i32
    %sign3A_26 = arith.extui %sign3A_25 : i1 to i32
    %sign3A_27 = arith.subi %sign3A_23, %sign3A_26 : i32
    %ne3A = arith.cmpi ne, %sign3A_20, %sign3A_27 : i32
    %rem3A = arith.remsi %sub3A_14, %jit3A : i32
    %ne3A_28 = arith.constant 0 : i32
    %ne3A_29 = arith.cmpi ne, %rem3A, %ne3A_28 : i32
    %and3A = arith.andi %ne3A, %ne3A_29 : i1
    %sub3A_30 = arith.constant 1 : i32
    %sub3A_31 = arith.subi %div3A, %sub3A_30 : i32
    %select_n3A = arith.select %and3A, %sub3A_31, %div3A : i32
    %while3A = arith.constant 0 : i32
    %while3A_32 = arith.constant 0 : i32
    %while3A_33 = arith.subi %select_n3A, %while3A : i32
    %while3A_34 = arith.addi %while3A, %while3A_33 : i32
    %while3A_35 = arith.constant 1 : i32
    %while3A_36 = arith.divsi %while3A_33, %while3A_35 : i32
    %while3A_37 = arith.muli %while3A_36, %while3A_35 : i32
    %while3A_38 = arith.addi %while3A, %while3A_37 : i32
    %while3A_39 = arith.constant 1 : i32
    %while3A_40 = scf.for %while3A_91 = %while3A to %while3A_38 step %while3A_39 iter_args(%while3A_92 = %while3A_32) -> (i32)  : i32 {
      %mul3A_93 = arith.constant 16 : i32
      %mul3A_94 = arith.muli %while3A_91, %mul3A_93 : i32
      %add3A_95 = arith.addi %arg1, %mul3A_94 : i32
      %mul3A_96 = arith.constant 80 : i32
      %mul3A_97 = arith.muli %add3A_95, %mul3A_96 : i32
      "tpu.region"() ({
        %run_scoped3A = tpu.sem_alloc : memref<!tpu.dma_semaphore, #tpu.memory_space<semaphore_mem>>
        %dma_start3A_99 = arith.constant 0 : i32
        %dma_start3A_100 = arith.constant 0 : i32
        %dma_start3A_101 = tpu.memref_slice %arg10[%dma_start3A_99, %dma_start3A_100] : memref<128x128xf32, #tpu.memory_space<vmem>> -> memref<80x128xf32, #tpu.memory_space<vmem>>
        %dma_start3A_102 = arith.constant 0 : i32
        %dma_start3A_103 = tpu.memref_slice %arg13[%mul3A_97, %dma_start3A_102] : memref<10000x128xf32, #tpu.memory_space<vmem_shared>> -> memref<80x128xf32, #tpu.memory_space<vmem_shared>>
        %dma_start3A_104 = arith.constant 0 : i32
        %dma_start3A_105 = tpu.memref_slice %arg13[%mul3A_97, %dma_start3A_104] : memref<10000x128xf32, #tpu.memory_space<vmem_shared>> -> memref<80x128xf32, #tpu.memory_space<vmem_shared>>
        %dma_start3A_106 = arith.constant 0 : i32
        %dma_start3A_107 = arith.constant 0 : i32
        %dma_start3A_108 = tpu.memref_slice %arg10[%dma_start3A_106, %dma_start3A_107] : memref<128x128xf32, #tpu.memory_space<vmem>> -> memref<80x128xf32, #tpu.memory_space<vmem>>
        tpu.enqueue_dma source(%dma_start3A_108 : memref<80x128xf32, #tpu.memory_space<vmem>>) target(%dma_start3A_105 : memref<80x128xf32, #tpu.memory_space<vmem_shared>>) target_semaphore(%run_scoped3A : memref<!tpu.dma_semaphore, #tpu.memory_space<semaphore_mem>>)
        %dma_wait3A_109 = arith.constant 0 : i32
        %dma_wait3A_110 = arith.constant 0 : i32
        %dma_wait3A_111 = tpu.memref_slice %arg10[%dma_wait3A_109, %dma_wait3A_110] : memref<128x128xf32, #tpu.memory_space<vmem>> -> memref<80x128xf32, #tpu.memory_space<vmem>>
        %dma_wait3A_112 = arith.constant 0 : i32
        %dma_wait3A_113 = tpu.memref_slice %arg13[%mul3A_97, %dma_wait3A_112] : memref<10000x128xf32, #tpu.memory_space<vmem_shared>> -> memref<80x128xf32, #tpu.memory_space<vmem_shared>>
        %dma_wait3A_114 = arith.constant 0 : i32
        %dma_wait3A_115 = tpu.memref_slice %arg13[%mul3A_97, %dma_wait3A_114] : memref<10000x128xf32, #tpu.memory_space<vmem_shared>> -> memref<80x128xf32, #tpu.memory_space<vmem_shared>>
        %dma_wait3A_116 = arith.constant 0 : i32
        %dma_wait3A_117 = arith.constant 0 : i32
        %dma_wait3A_118 = tpu.memref_slice %arg10[%dma_wait3A_116, %dma_wait3A_117] : memref<128x128xf32, #tpu.memory_space<vmem>> -> memref<80x128xf32, #tpu.memory_space<vmem>>
        tpu.wait_dma2 semaphore(%run_scoped3A : memref<!tpu.dma_semaphore, #tpu.memory_space<semaphore_mem>>) src(%dma_wait3A_118 : memref<80x128xf32, #tpu.memory_space<vmem>>) dst(%dma_wait3A_115 : memref<80x128xf32, #tpu.memory_space<vmem_shared>>)
        tpu.yield
      }) : () -> ()
      %while3A_98 = arith.constant 0 : i32
      scf.yield %while3A_98 : i32
    }
    %while3A_41 = arith.constant 1 : i32
    %while3A_42 = scf.for %while3A_91 = %while3A_38 to %while3A_34 step %while3A_41 iter_args(%while3A_92 = %while3A_40) -> (i32)  : i32 {
      %mul3A_93 = arith.constant 16 : i32
      %mul3A_94 = arith.muli %while3A_91, %mul3A_93 : i32
      %add3A_95 = arith.addi %arg1, %mul3A_94 : i32
      %mul3A_96 = arith.constant 80 : i32
      %mul3A_97 = arith.muli %add3A_95, %mul3A_96 : i32
      "tpu.region"() ({
        %run_scoped3A = tpu.sem_alloc : memref<!tpu.dma_semaphore, #tpu.memory_space<semaphore_mem>>
        %dma_start3A_99 = arith.constant 0 : i32
        %dma_start3A_100 = arith.constant 0 : i32
        %dma_start3A_101 = tpu.memref_slice %arg10[%dma_start3A_99, %dma_start3A_100] : memref<128x128xf32, #tpu.memory_space<vmem>> -> memref<80x128xf32, #tpu.memory_space<vmem>>
        %dma_start3A_102 = arith.constant 0 : i32
        %dma_start3A_103 = tpu.memref_slice %arg13[%mul3A_97, %dma_start3A_102] : memref<10000x128xf32, #tpu.memory_space<vmem_shared>> -> memref<80x128xf32, #tpu.memory_space<vmem_shared>>
        %dma_start3A_104 = arith.constant 0 : i32
        %dma_start3A_105 = tpu.memref_slice %arg13[%mul3A_97, %dma_start3A_104] : memref<10000x128xf32, #tpu.memory_space<vmem_shared>> -> memref<80x128xf32, #tpu.memory_space<vmem_shared>>
        %dma_start3A_106 = arith.constant 0 : i32
        %dma_start3A_107 = arith.constant 0 : i32
        %dma_start3A_108 = tpu.memref_slice %arg10[%dma_start3A_106, %dma_start3A_107] : memref<128x128xf32, #tpu.memory_space<vmem>> -> memref<80x128xf32, #tpu.memory_space<vmem>>
        tpu.enqueue_dma source(%dma_start3A_108 : memref<80x128xf32, #tpu.memory_space<vmem>>) target(%dma_start3A_105 : memref<80x128xf32, #tpu.memory_space<vmem_shared>>) target_semaphore(%run_scoped3A : memref<!tpu.dma_semaphore, #tpu.memory_space<semaphore_mem>>)
        %dma_wait3A_109 = arith.constant 0 : i32
        %dma_wait3A_110 = arith.constant 0 : i32
        %dma_wait3A_111 = tpu.memref_slice %arg10[%dma_wait3A_109, %dma_wait3A_110] : memref<128x128xf32, #tpu.memory_space<vmem>> -> memref<80x128xf32, #tpu.memory_space<vmem>>
        %dma_wait3A_112 = arith.constant 0 : i32
        %dma_wait3A_113 = tpu.memref_slice %arg13[%mul3A_97, %dma_wait3A_112] : memref<10000x128xf32, #tpu.memory_space<vmem_shared>> -> memref<80x128xf32, #tpu.memory_space<vmem_shared>>
        %dma_wait3A_114 = arith.constant 0 : i32
        %dma_wait3A_115 = tpu.memref_slice %arg13[%mul3A_97, %dma_wait3A_114] : memref<10000x128xf32, #tpu.memory_space<vmem_shared>> -> memref<80x128xf32, #tpu.memory_space<vmem_shared>>
        %dma_wait3A_116 = arith.constant 0 : i32
        %dma_wait3A_117 = arith.constant 0 : i32
        %dma_wait3A_118 = tpu.memref_slice %arg10[%dma_wait3A_116, %dma_wait3A_117] : memref<128x128xf32, #tpu.memory_space<vmem>> -> memref<80x128xf32, #tpu.memory_space<vmem>>
        tpu.wait_dma2 semaphore(%run_scoped3A : memref<!tpu.dma_semaphore, #tpu.memory_space<semaphore_mem>>) src(%dma_wait3A_118 : memref<80x128xf32, #tpu.memory_space<vmem>>) dst(%dma_wait3A_115 : memref<80x128xf32, #tpu.memory_space<vmem_shared>>)
        tpu.yield
      }) : () -> ()
      %while3A_98 = arith.constant 0 : i32
      scf.yield %while3A_98 : i32
    }
    %barrier3A = arith.constant 0 : index
    tpu.barrier barrier_id(%barrier3A)
    %dma_start3A = arith.constant 0 : i32
    %dma_start3A_43 = tpu.memref_slice %arg6[%dma_start3A] : memref<10000xi32, #tpu.memory_space<vmem>> -> memref<128xi32, #tpu.memory_space<vmem>>
    %dma_start3A_44 = arith.constant 0 : i32
    %dma_start3A_45 = arith.constant 0 : i32
    %dma_start3A_46 = tpu.memref_slice %arg2[%dma_start3A_44, %dma_start3A_45] : memref<10000x128xf32, #tpu.memory_space<hbm>> -> memref<10000x128xf32, #tpu.memory_space<hbm>>
    tpu.enqueue_indirect_dma source(%dma_start3A_46 : memref<10000x128xf32, #tpu.memory_space<hbm>>) target(%arg10 : memref<128x128xf32, #tpu.memory_space<vmem>>) offsets(%dma_start3A_43 : memref<128xi32, #tpu.memory_space<vmem>>) semaphore(%arg14 : memref<!tpu.dma_semaphore, #tpu.memory_space<semaphore_mem>>)
    %add3A_47 = arith.constant 0 : i32
    %add3A_48 = arith.addi %mul3A_2, %add3A_47 : i32
    %dma_start3A_49 = tpu.memref_slice %arg4[%add3A_48] : memref<320000xi32, #tpu.memory_space<hbm>> -> memref<128xi32, #tpu.memory_space<hbm>>
    %dma_start3A_50 = tpu.memref_slice %arg4[%add3A_48] : memref<320000xi32, #tpu.memory_space<hbm>> -> memref<128xi32, #tpu.memory_space<hbm>>
    tpu.enqueue_dma source(%dma_start3A_50 : memref<128xi32, #tpu.memory_space<hbm>>) target(%arg7 : memref<128xi32, #tpu.memory_space<vmem>>) target_semaphore(%arg16 : memref<!tpu.dma_semaphore, #tpu.memory_space<semaphore_mem>>)
    %dma_start3A_51 = arith.constant 128 : i32
    %dma_start3A_52 = tpu.memref_slice %arg6[%dma_start3A_51] : memref<10000xi32, #tpu.memory_space<vmem>> -> memref<128xi32, #tpu.memory_space<vmem>>
    %dma_start3A_53 = arith.constant 0 : i32
    %dma_start3A_54 = arith.constant 0 : i32
    %dma_start3A_55 = tpu.memref_slice %arg2[%dma_start3A_53, %dma_start3A_54] : memref<10000x128xf32, #tpu.memory_space<hbm>> -> memref<10000x128xf32, #tpu.memory_space<hbm>>
    tpu.enqueue_indirect_dma source(%dma_start3A_55 : memref<10000x128xf32, #tpu.memory_space<hbm>>) target(%arg11 : memref<128x128xf32, #tpu.memory_space<vmem>>) offsets(%dma_start3A_52 : memref<128xi32, #tpu.memory_space<vmem>>) semaphore(%arg15 : memref<!tpu.dma_semaphore, #tpu.memory_space<semaphore_mem>>)
    %add3A_56 = arith.constant 128 : i32
    %add3A_57 = arith.addi %mul3A_2, %add3A_56 : i32
    %dma_start3A_58 = tpu.memref_slice %arg4[%add3A_57] : memref<320000xi32, #tpu.memory_space<hbm>> -> memref<128xi32, #tpu.memory_space<hbm>>
    %dma_start3A_59 = tpu.memref_slice %arg4[%add3A_57] : memref<320000xi32, #tpu.memory_space<hbm>> -> memref<128xi32, #tpu.memory_space<hbm>>
    tpu.enqueue_dma source(%dma_start3A_59 : memref<128xi32, #tpu.memory_space<hbm>>) target(%arg8 : memref<128xi32, #tpu.memory_space<vmem>>) target_semaphore(%arg17 : memref<!tpu.dma_semaphore, #tpu.memory_space<semaphore_mem>>)
    %scan3A_60 = arith.constant 0 : i32
    %scan3A_61 = arith.constant 0 : i32
    %scan3A_62 = arith.constant 39 : i32
    %scan3A_63 = arith.addi %scan3A_61, %scan3A_62 : i32
    %scan3A_64 = arith.constant 1 : i32
    %scan3A_65 = scf.for %scan3A_91 = %scan3A_61 to %scan3A_63 step %scan3A_64 iter_args(%scan3A_92 = %scan3A_60) -> (i32)  : i32 {
      %mul3A_93 = arith.constant 2 : i32
      %mul3A_94 = arith.muli %mul3A_93, %scan3A_91 : i32
      %mul3A_95 = arith.constant 128 : i32
      %mul3A_96 = arith.muli %mul3A_94, %mul3A_95 : i32
      %dma_wait3A_97 = tpu.memref_slice %arg6[%mul3A_96] : memref<10000xi32, #tpu.memory_space<vmem>> -> memref<128xi32, #tpu.memory_space<vmem>>
      %dma_wait3A_98 = arith.constant 0 : i32
      %dma_wait3A_99 = arith.constant 0 : i32
      %dma_wait3A_100 = tpu.memref_slice %arg2[%dma_wait3A_98, %dma_wait3A_99] : memref<10000x128xf32, #tpu.memory_space<hbm>> -> memref<10000x128xf32, #tpu.memory_space<hbm>>
      tpu.wait_indirect_dma semaphore(%arg14 : memref<!tpu.dma_semaphore, #tpu.memory_space<semaphore_mem>>) src(%dma_wait3A_100 : memref<10000x128xf32, #tpu.memory_space<hbm>>) dst(%arg10 : memref<128x128xf32, #tpu.memory_space<vmem>>)
      %mul3A_101 = arith.constant 128 : i32
      %mul3A_102 = arith.muli %mul3A_94, %mul3A_101 : i32
      %add3A_103 = arith.addi %mul3A_2, %mul3A_102 : i32
      %dma_wait3A_104 = tpu.memref_slice %arg4[%add3A_103] : memref<320000xi32, #tpu.memory_space<hbm>> -> memref<128xi32, #tpu.memory_space<hbm>>
      %dma_wait3A_105 = tpu.memref_slice %arg4[%add3A_103] : memref<320000xi32, #tpu.memory_space<hbm>> -> memref<128xi32, #tpu.memory_space<hbm>>
      tpu.wait_dma2 semaphore(%arg16 : memref<!tpu.dma_semaphore, #tpu.memory_space<semaphore_mem>>) src(%dma_wait3A_105 : memref<128xi32, #tpu.memory_space<hbm>>) dst(%arg7 : memref<128xi32, #tpu.memory_space<vmem>>)
      %lt3A = arith.constant 38 : i32
      %lt3A_106 = arith.cmpi slt, %scan3A_91, %lt3A : i32
      %convert_element_type3A = arith.extui %lt3A_106 : i1 to i32
      %cond3A = arith.constant 0 : i32
      %cond3A_107 = arith.cmpi ne, %convert_element_type3A, %cond3A : i32
      scf.if %cond3A_107 {
        %add3A_129 = arith.constant 2 : i32
        %add3A_130 = arith.addi %mul3A_94, %add3A_129 : i32
        %mul3A_131 = arith.constant 128 : i32
        %mul3A_132 = arith.muli %add3A_130, %mul3A_131 : i32
        %dma_start3A_133 = tpu.memref_slice %arg6[%mul3A_132] : memref<10000xi32, #tpu.memory_space<vmem>> -> memref<128xi32, #tpu.memory_space<vmem>>
        %dma_start3A_134 = arith.constant 0 : i32
        %dma_start3A_135 = arith.constant 0 : i32
        %dma_start3A_136 = tpu.memref_slice %arg2[%dma_start3A_134, %dma_start3A_135] : memref<10000x128xf32, #tpu.memory_space<hbm>> -> memref<10000x128xf32, #tpu.memory_space<hbm>>
        tpu.enqueue_indirect_dma source(%dma_start3A_136 : memref<10000x128xf32, #tpu.memory_space<hbm>>) target(%arg10 : memref<128x128xf32, #tpu.memory_space<vmem>>) offsets(%dma_start3A_133 : memref<128xi32, #tpu.memory_space<vmem>>) semaphore(%arg14 : memref<!tpu.dma_semaphore, #tpu.memory_space<semaphore_mem>>)
        %add3A_137 = arith.constant 2 : i32
        %add3A_138 = arith.addi %mul3A_94, %add3A_137 : i32
        %mul3A_139 = arith.constant 128 : i32
        %mul3A_140 = arith.muli %add3A_138, %mul3A_139 : i32
        %add3A_141 = arith.addi %mul3A_2, %mul3A_140 : i32
        %dma_start3A_142 = tpu.memref_slice %arg4[%add3A_141] : memref<320000xi32, #tpu.memory_space<hbm>> -> memref<128xi32, #tpu.memory_space<hbm>>
        %dma_start3A_143 = tpu.memref_slice %arg4[%add3A_141] : memref<320000xi32, #tpu.memory_space<hbm>> -> memref<128xi32, #tpu.memory_space<hbm>>
        tpu.enqueue_dma source(%dma_start3A_143 : memref<128xi32, #tpu.memory_space<hbm>>) target(%arg7 : memref<128xi32, #tpu.memory_space<vmem>>) target_semaphore(%arg16 : memref<!tpu.dma_semaphore, #tpu.memory_space<semaphore_mem>>)
      } else {
      }
      "tpu.region"() ({
        %run_scoped3A = tpu.sem_alloc : memref<!tpu.dma_semaphore, #tpu.memory_space<semaphore_mem>>
        %dma_start3A_129 = arith.constant 0 : i32
        %dma_start3A_130 = arith.constant 0 : i32
        %dma_start3A_131 = tpu.memref_slice %arg13[%dma_start3A_129, %dma_start3A_130] : memref<10000x128xf32, #tpu.memory_space<vmem_shared>> -> memref<10000x128xf32, #tpu.memory_space<vmem_shared>>
        tpu.enqueue_indirect_dma source(%arg10 : memref<128x128xf32, #tpu.memory_space<vmem>>) target(%dma_start3A_131 : memref<10000x128xf32, #tpu.memory_space<vmem_shared>>) offsets(%arg7 : memref<128xi32, #tpu.memory_space<vmem>>) semaphore(%run_scoped3A : memref<!tpu.dma_semaphore, #tpu.memory_space<semaphore_mem>>) {add = true}
        %dma_wait3A_132 = arith.constant 0 : i32
        %dma_wait3A_133 = arith.constant 0 : i32
        %dma_wait3A_134 = tpu.memref_slice %arg13[%dma_wait3A_132, %dma_wait3A_133] : memref<10000x128xf32, #tpu.memory_space<vmem_shared>> -> memref<10000x128xf32, #tpu.memory_space<vmem_shared>>
        tpu.wait_indirect_dma semaphore(%run_scoped3A : memref<!tpu.dma_semaphore, #tpu.memory_space<semaphore_mem>>) src(%arg10 : memref<128x128xf32, #tpu.memory_space<vmem>>) dst(%dma_wait3A_134 : memref<10000x128xf32, #tpu.memory_space<vmem_shared>>)
        tpu.yield
      }) : () -> ()
      %add3A_108 = arith.constant 1 : i32
      %add3A_109 = arith.addi %mul3A_94, %add3A_108 : i32
      %mul3A_110 = arith.constant 128 : i32
      %mul3A_111 = arith.muli %add3A_109, %mul3A_110 : i32
      %dma_wait3A_112 = tpu.memref_slice %arg6[%mul3A_111] : memref<10000xi32, #tpu.memory_space<vmem>> -> memref<128xi32, #tpu.memory_space<vmem>>
      %dma_wait3A_113 = arith.constant 0 : i32
      %dma_wait3A_114 = arith.constant 0 : i32
      %dma_wait3A_115 = tpu.memref_slice %arg2[%dma_wait3A_113, %dma_wait3A_114] : memref<10000x128xf32, #tpu.memory_space<hbm>> -> memref<10000x128xf32, #tpu.memory_space<hbm>>
      tpu.wait_indirect_dma semaphore(%arg15 : memref<!tpu.dma_semaphore, #tpu.memory_space<semaphore_mem>>) src(%dma_wait3A_115 : memref<10000x128xf32, #tpu.memory_space<hbm>>) dst(%arg11 : memref<128x128xf32, #tpu.memory_space<vmem>>)
      %add3A_116 = arith.constant 1 : i32
      %add3A_117 = arith.addi %mul3A_94, %add3A_116 : i32
      %mul3A_118 = arith.constant 128 : i32
      %mul3A_119 = arith.muli %add3A_117, %mul3A_118 : i32
      %add3A_120 = arith.addi %mul3A_2, %mul3A_119 : i32
      %dma_wait3A_121 = tpu.memref_slice %arg4[%add3A_120] : memref<320000xi32, #tpu.memory_space<hbm>> -> memref<128xi32, #tpu.memory_space<hbm>>
      %dma_wait3A_122 = tpu.memref_slice %arg4[%add3A_120] : memref<320000xi32, #tpu.memory_space<hbm>> -> memref<128xi32, #tpu.memory_space<hbm>>
      tpu.wait_dma2 semaphore(%arg17 : memref<!tpu.dma_semaphore, #tpu.memory_space<semaphore_mem>>) src(%dma_wait3A_122 : memref<128xi32, #tpu.memory_space<hbm>>) dst(%arg8 : memref<128xi32, #tpu.memory_space<vmem>>)
      %lt3A_123 = arith.constant 38 : i32
      %lt3A_124 = arith.cmpi slt, %scan3A_91, %lt3A_123 : i32
      %convert_element_type3A_125 = arith.extui %lt3A_124 : i1 to i32
      %cond3A_126 = arith.constant 0 : i32
      %cond3A_127 = arith.cmpi ne, %convert_element_type3A_125, %cond3A_126 : i32
      scf.if %cond3A_127 {
        %add3A_129 = arith.constant 3 : i32
        %add3A_130 = arith.addi %mul3A_94, %add3A_129 : i32
        %mul3A_131 = arith.constant 128 : i32
        %mul3A_132 = arith.muli %add3A_130, %mul3A_131 : i32
        %dma_start3A_133 = tpu.memref_slice %arg6[%mul3A_132] : memref<10000xi32, #tpu.memory_space<vmem>> -> memref<128xi32, #tpu.memory_space<vmem>>
        %dma_start3A_134 = arith.constant 0 : i32
        %dma_start3A_135 = arith.constant 0 : i32
        %dma_start3A_136 = tpu.memref_slice %arg2[%dma_start3A_134, %dma_start3A_135] : memref<10000x128xf32, #tpu.memory_space<hbm>> -> memref<10000x128xf32, #tpu.memory_space<hbm>>
        tpu.enqueue_indirect_dma source(%dma_start3A_136 : memref<10000x128xf32, #tpu.memory_space<hbm>>) target(%arg11 : memref<128x128xf32, #tpu.memory_space<vmem>>) offsets(%dma_start3A_133 : memref<128xi32, #tpu.memory_space<vmem>>) semaphore(%arg15 : memref<!tpu.dma_semaphore, #tpu.memory_space<semaphore_mem>>)
        %add3A_137 = arith.constant 3 : i32
        %add3A_138 = arith.addi %mul3A_94, %add3A_137 : i32
        %mul3A_139 = arith.constant 128 : i32
        %mul3A_140 = arith.muli %add3A_138, %mul3A_139 : i32
        %add3A_141 = arith.addi %mul3A_2, %mul3A_140 : i32
        %dma_start3A_142 = tpu.memref_slice %arg4[%add3A_141] : memref<320000xi32, #tpu.memory_space<hbm>> -> memref<128xi32, #tpu.memory_space<hbm>>
        %dma_start3A_143 = tpu.memref_slice %arg4[%add3A_141] : memref<320000xi32, #tpu.memory_space<hbm>> -> memref<128xi32, #tpu.memory_space<hbm>>
        tpu.enqueue_dma source(%dma_start3A_143 : memref<128xi32, #tpu.memory_space<hbm>>) target(%arg8 : memref<128xi32, #tpu.memory_space<vmem>>) target_semaphore(%arg17 : memref<!tpu.dma_semaphore, #tpu.memory_space<semaphore_mem>>)
      } else {
      }
      "tpu.region"() ({
        %run_scoped3A = tpu.sem_alloc : memref<!tpu.dma_semaphore, #tpu.memory_space<semaphore_mem>>
        %dma_start3A_129 = arith.constant 0 : i32
        %dma_start3A_130 = arith.constant 0 : i32
        %dma_start3A_131 = tpu.memref_slice %arg13[%dma_start3A_129, %dma_start3A_130] : memref<10000x128xf32, #tpu.memory_space<vmem_shared>> -> memref<10000x128xf32, #tpu.memory_space<vmem_shared>>
        tpu.enqueue_indirect_dma source(%arg11 : memref<128x128xf32, #tpu.memory_space<vmem>>) target(%dma_start3A_131 : memref<10000x128xf32, #tpu.memory_space<vmem_shared>>) offsets(%arg8 : memref<128xi32, #tpu.memory_space<vmem>>) semaphore(%run_scoped3A : memref<!tpu.dma_semaphore, #tpu.memory_space<semaphore_mem>>) {add = true}
        %dma_wait3A_132 = arith.constant 0 : i32
        %dma_wait3A_133 = arith.constant 0 : i32
        %dma_wait3A_134 = tpu.memref_slice %arg13[%dma_wait3A_132, %dma_wait3A_133] : memref<10000x128xf32, #tpu.memory_space<vmem_shared>> -> memref<10000x128xf32, #tpu.memory_space<vmem_shared>>
        tpu.wait_indirect_dma semaphore(%run_scoped3A : memref<!tpu.dma_semaphore, #tpu.memory_space<semaphore_mem>>) src(%arg11 : memref<128x128xf32, #tpu.memory_space<vmem>>) dst(%dma_wait3A_134 : memref<10000x128xf32, #tpu.memory_space<vmem_shared>>)
        tpu.yield
      }) : () -> ()
      %scan3A_128 = arith.constant 0 : i32
      scf.yield %scan3A_128 : i32
    }
    %scan3A_66 = arith.constant 39 : i32
    %dma_start3A_67 = arith.constant 9984 : i32
    %dma_start3A_68 = tpu.memref_slice %arg6[%dma_start3A_67] : memref<10000xi32, #tpu.memory_space<vmem>> -> memref<16xi32, #tpu.memory_space<vmem>>
    %dma_start3A_69 = arith.constant 0 : i32
    %dma_start3A_70 = arith.constant 0 : i32
    %dma_start3A_71 = tpu.memref_slice %arg2[%dma_start3A_69, %dma_start3A_70] : memref<10000x128xf32, #tpu.memory_space<hbm>> -> memref<10000x128xf32, #tpu.memory_space<hbm>>
    tpu.enqueue_indirect_dma source(%dma_start3A_71 : memref<10000x128xf32, #tpu.memory_space<hbm>>) target(%arg12 : memref<16x128xf32, #tpu.memory_space<vmem>>) offsets(%dma_start3A_68 : memref<16xi32, #tpu.memory_space<vmem>>) semaphore(%arg14 : memref<!tpu.dma_semaphore, #tpu.memory_space<semaphore_mem>>)
    %add3A_72 = arith.constant 9984 : i32
    %add3A_73 = arith.addi %mul3A_2, %add3A_72 : i32
    "tpu.region"() ({
      %run_scoped3A = tpu.sem_alloc : memref<!tpu.dma_semaphore, #tpu.memory_space<semaphore_mem>>
      %dma_start3A_91 = tpu.memref_slice %arg4[%add3A_73] : memref<320000xi32, #tpu.memory_space<hbm>> -> memref<16xi32, #tpu.memory_space<hbm>>
      %dma_start3A_92 = tpu.memref_slice %arg4[%add3A_73] : memref<320000xi32, #tpu.memory_space<hbm>> -> memref<16xi32, #tpu.memory_space<hbm>>
      tpu.enqueue_dma source(%dma_start3A_92 : memref<16xi32, #tpu.memory_space<hbm>>) target(%arg9 : memref<16xi32, #tpu.memory_space<vmem>>) target_semaphore(%run_scoped3A : memref<!tpu.dma_semaphore, #tpu.memory_space<semaphore_mem>>)
      %dma_wait3A_93 = tpu.memref_slice %arg4[%add3A_73] : memref<320000xi32, #tpu.memory_space<hbm>> -> memref<16xi32, #tpu.memory_space<hbm>>
      %dma_wait3A_94 = tpu.memref_slice %arg4[%add3A_73] : memref<320000xi32, #tpu.memory_space<hbm>> -> memref<16xi32, #tpu.memory_space<hbm>>
      tpu.wait_dma2 semaphore(%run_scoped3A : memref<!tpu.dma_semaphore, #tpu.memory_space<semaphore_mem>>) src(%dma_wait3A_94 : memref<16xi32, #tpu.memory_space<hbm>>) dst(%arg9 : memref<16xi32, #tpu.memory_space<vmem>>)
      tpu.yield
    }) : () -> ()
    %dma_wait3A = arith.constant 9984 : i32
    %dma_wait3A_74 = tpu.memref_slice %arg6[%dma_wait3A] : memref<10000xi32, #tpu.memory_space<vmem>> -> memref<16xi32, #tpu.memory_space<vmem>>
    %dma_wait3A_75 = arith.constant 0 : i32
    %dma_wait3A_76 = arith.constant 0 : i32
    %dma_wait3A_77 = tpu.memref_slice %arg2[%dma_wait3A_75, %dma_wait3A_76] : memref<10000x128xf32, #tpu.memory_space<hbm>> -> memref<10000x128xf32, #tpu.memory_space<hbm>>
    tpu.wait_indirect_dma semaphore(%arg14 : memref<!tpu.dma_semaphore, #tpu.memory_space<semaphore_mem>>) src(%dma_wait3A_77 : memref<10000x128xf32, #tpu.memory_space<hbm>>) dst(%arg12 : memref<16x128xf32, #tpu.memory_space<vmem>>)
    "tpu.region"() ({
      %run_scoped3A = tpu.sem_alloc : memref<!tpu.dma_semaphore, #tpu.memory_space<semaphore_mem>>
      %dma_start3A_91 = arith.constant 0 : i32
      %dma_start3A_92 = arith.constant 0 : i32
      %dma_start3A_93 = tpu.memref_slice %arg13[%dma_start3A_91, %dma_start3A_92] : memref<10000x128xf32, #tpu.memory_space<vmem_shared>> -> memref<10000x128xf32, #tpu.memory_space<vmem_shared>>
      tpu.enqueue_indirect_dma source(%arg12 : memref<16x128xf32, #tpu.memory_space<vmem>>) target(%dma_start3A_93 : memref<10000x128xf32, #tpu.memory_space<vmem_shared>>) offsets(%arg9 : memref<16xi32, #tpu.memory_space<vmem>>) semaphore(%run_scoped3A : memref<!tpu.dma_semaphore, #tpu.memory_space<semaphore_mem>>) {add = true}
      %dma_wait3A_94 = arith.constant 0 : i32
      %dma_wait3A_95 = arith.constant 0 : i32
      %dma_wait3A_96 = tpu.memref_slice %arg13[%dma_wait3A_94, %dma_wait3A_95] : memref<10000x128xf32, #tpu.memory_space<vmem_shared>> -> memref<10000x128xf32, #tpu.memory_space<vmem_shared>>
      tpu.wait_indirect_dma semaphore(%run_scoped3A : memref<!tpu.dma_semaphore, #tpu.memory_space<semaphore_mem>>) src(%arg12 : memref<16x128xf32, #tpu.memory_space<vmem>>) dst(%dma_wait3A_96 : memref<10000x128xf32, #tpu.memory_space<vmem_shared>>)
      tpu.yield
    }) : () -> ()
    %barrier3A_78 = arith.constant 0 : index
    tpu.barrier barrier_id(%barrier3A_78)
    %while3A_79 = arith.constant 0 : i32
    %while3A_80 = arith.constant 0 : i32
    %while3A_81 = arith.subi %select_n3A, %while3A_79 : i32
    %while3A_82 = arith.addi %while3A_79, %while3A_81 : i32
    %while3A_83 = arith.constant 1 : i32
    %while3A_84 = arith.divsi %while3A_81, %while3A_83 : i32
    %while3A_85 = arith.muli %while3A_84, %while3A_83 : i32
    %while3A_86 = arith.addi %while3A_79, %while3A_85 : i32
    %while3A_87 = arith.constant 1 : i32
    %while3A_88 = scf.for %while3A_91 = %while3A_79 to %while3A_86 step %while3A_87 iter_args(%while3A_92 = %while3A_80) -> (i32)  : i32 {
      %mul3A_93 = arith.constant 16 : i32
      %mul3A_94 = arith.muli %while3A_91, %mul3A_93 : i32
      %add3A_95 = arith.addi %arg1, %mul3A_94 : i32
      %mul3A_96 = arith.constant 80 : i32
      %mul3A_97 = arith.muli %add3A_95, %mul3A_96 : i32
      "tpu.region"() ({
        %run_scoped3A = tpu.sem_alloc : memref<!tpu.dma_semaphore, #tpu.memory_space<semaphore_mem>>
        %dma_start3A_99 = arith.constant 0 : i32
        %dma_start3A_100 = tpu.memref_slice %arg5[%arg0, %mul3A_97, %dma_start3A_99] : memref<2x10000x128xf32, #tpu.memory_space<hbm>> -> memref<1x80x128xf32, #tpu.memory_space<hbm>>
        %dma_start3A_101 = tpu.memref_squeeze %dma_start3A_100 : memref<1x80x128xf32, #tpu.memory_space<hbm>> -> memref<80x128xf32, #tpu.memory_space<hbm>>
        %dma_start3A_102 = arith.constant 0 : i32
        %dma_start3A_103 = tpu.memref_slice %arg13[%mul3A_97, %dma_start3A_102] : memref<10000x128xf32, #tpu.memory_space<vmem_shared>> -> memref<80x128xf32, #tpu.memory_space<vmem_shared>>
        tpu.enqueue_dma source(%dma_start3A_103 : memref<80x128xf32, #tpu.memory_space<vmem_shared>>) target(%dma_start3A_101 : memref<80x128xf32, #tpu.memory_space<hbm>>) target_semaphore(%run_scoped3A : memref<!tpu.dma_semaphore, #tpu.memory_space<semaphore_mem>>)
        %dma_wait3A_104 = arith.constant 0 : i32
        %dma_wait3A_105 = tpu.memref_slice %arg5[%arg0, %mul3A_97, %dma_wait3A_104] : memref<2x10000x128xf32, #tpu.memory_space<hbm>> -> memref<1x80x128xf32, #tpu.memory_space<hbm>>
        %dma_wait3A_106 = tpu.memref_squeeze %dma_wait3A_105 : memref<1x80x128xf32, #tpu.memory_space<hbm>> -> memref<80x128xf32, #tpu.memory_space<hbm>>
        %dma_wait3A_107 = arith.constant 0 : i32
        %dma_wait3A_108 = tpu.memref_slice %arg13[%mul3A_97, %dma_wait3A_107] : memref<10000x128xf32, #tpu.memory_space<vmem_shared>> -> memref<80x128xf32, #tpu.memory_space<vmem_shared>>
        tpu.wait_dma2 semaphore(%run_scoped3A : memref<!tpu.dma_semaphore, #tpu.memory_space<semaphore_mem>>) src(%dma_wait3A_108 : memref<80x128xf32, #tpu.memory_space<vmem_shared>>) dst(%dma_wait3A_106 : memref<80x128xf32, #tpu.memory_space<hbm>>)
        tpu.yield
      }) : () -> ()
      %while3A_98 = arith.constant 0 : i32
      scf.yield %while3A_98 : i32
    }
    %while3A_89 = arith.constant 1 : i32
    %while3A_90 = scf.for %while3A_91 = %while3A_86 to %while3A_82 step %while3A_89 iter_args(%while3A_92 = %while3A_88) -> (i32)  : i32 {
      %mul3A_93 = arith.constant 16 : i32
      %mul3A_94 = arith.muli %while3A_91, %mul3A_93 : i32
      %add3A_95 = arith.addi %arg1, %mul3A_94 : i32
      %mul3A_96 = arith.constant 80 : i32
      %mul3A_97 = arith.muli %add3A_95, %mul3A_96 : i32
      "tpu.region"() ({
        %run_scoped3A = tpu.sem_alloc : memref<!tpu.dma_semaphore, #tpu.memory_space<semaphore_mem>>
        %dma_start3A_99 = arith.constant 0 : i32
        %dma_start3A_100 = tpu.memref_slice %arg5[%arg0, %mul3A_97, %dma_start3A_99] : memref<2x10000x128xf32, #tpu.memory_space<hbm>> -> memref<1x80x128xf32, #tpu.memory_space<hbm>>
        %dma_start3A_101 = tpu.memref_squeeze %dma_start3A_100 : memref<1x80x128xf32, #tpu.memory_space<hbm>> -> memref<80x128xf32, #tpu.memory_space<hbm>>
        %dma_start3A_102 = arith.constant 0 : i32
        %dma_start3A_103 = tpu.memref_slice %arg13[%mul3A_97, %dma_start3A_102] : memref<10000x128xf32, #tpu.memory_space<vmem_shared>> -> memref<80x128xf32, #tpu.memory_space<vmem_shared>>
        tpu.enqueue_dma source(%dma_start3A_103 : memref<80x128xf32, #tpu.memory_space<vmem_shared>>) target(%dma_start3A_101 : memref<80x128xf32, #tpu.memory_space<hbm>>) target_semaphore(%run_scoped3A : memref<!tpu.dma_semaphore, #tpu.memory_space<semaphore_mem>>)
        %dma_wait3A_104 = arith.constant 0 : i32
        %dma_wait3A_105 = tpu.memref_slice %arg5[%arg0, %mul3A_97, %dma_wait3A_104] : memref<2x10000x128xf32, #tpu.memory_space<hbm>> -> memref<1x80x128xf32, #tpu.memory_space<hbm>>
        %dma_wait3A_106 = tpu.memref_squeeze %dma_wait3A_105 : memref<1x80x128xf32, #tpu.memory_space<hbm>> -> memref<80x128xf32, #tpu.memory_space<hbm>>
        %dma_wait3A_107 = arith.constant 0 : i32
        %dma_wait3A_108 = tpu.memref_slice %arg13[%mul3A_97, %dma_wait3A_107] : memref<10000x128xf32, #tpu.memory_space<vmem_shared>> -> memref<80x128xf32, #tpu.memory_space<vmem_shared>>
        tpu.wait_dma2 semaphore(%run_scoped3A : memref<!tpu.dma_semaphore, #tpu.memory_space<semaphore_mem>>) src(%dma_wait3A_108 : memref<80x128xf32, #tpu.memory_space<vmem_shared>>) dst(%dma_wait3A_106 : memref<80x128xf32, #tpu.memory_space<hbm>>)
        tpu.yield
      }) : () -> ()
      %while3A_98 = arith.constant 0 : i32
      scf.yield %while3A_98 : i32
    }
    return
  }
}

module attributes {stable_mosaic.version = 14 : i64} {
  func.func @_tc_update_body(%arg0: i32, %arg1: memref<2x2000x128xf32, #tpu.memory_space<vmem>>, %arg2: memref<2000x128xf32, #tpu.memory_space<vmem>>, %arg3: memref<128x128xf32, #tpu.memory_space<vmem>>, %arg4: memref<1x128xf32, #tpu.memory_space<vmem>>, %arg5: memref<128x128xf32, #tpu.memory_space<vmem>>, %arg6: memref<2000x128xf32, #tpu.memory_space<vmem>>) attributes {dimension_semantics = [#tpu.dimension_semantics<arbitrary>], iteration_bounds = array<i64: 5>, scalar_prefetch = 0 : i64, scratch_operands = 0 : i64, tpu.core_type = #tpu.core_type<tc>, window_params = [{transform_indices = @transform_0, window_bounds = array<i64: 2, 2000, 128>}, {transform_indices = @transform_1, window_bounds = array<i64: 2000, 128>}, {pipeline_mode = #tpu.pipeline_mode<synchronous>, transform_indices = @transform_2, window_bounds = array<i64: 128, 128>}, {pipeline_mode = #tpu.pipeline_mode<synchronous>, transform_indices = @transform_3, window_bounds = array<i64: 1, 128>}, {pipeline_mode = #tpu.pipeline_mode<synchronous>, transform_indices = @transform_4, window_bounds = array<i64: 128, 128>}, {transform_indices = @transform_5, window_bounds = array<i64: 2000, 128>}]} {
    %get3A = arith.constant 0 : index
    %get3A_0 = arith.constant 0 : index
    %get3A_1 = arith.constant 0 : index
    %get3A_2 = vector.load %arg1[%get3A, %get3A_0, %get3A_1] : memref<2x2000x128xf32, #tpu.memory_space<vmem>>, vector<1x2000x128xf32>
    %get3A_3 = vector.shape_cast %get3A_2 : vector<1x2000x128xf32> to vector<2000x128xf32>
    %get3A_4 = arith.constant 1 : index
    %get3A_5 = arith.constant 0 : index
    %get3A_6 = arith.constant 0 : index
    %get3A_7 = vector.load %arg1[%get3A_4, %get3A_5, %get3A_6] : memref<2x2000x128xf32, #tpu.memory_space<vmem>>, vector<1x2000x128xf32>
    %get3A_8 = vector.shape_cast %get3A_7 : vector<1x2000x128xf32> to vector<2000x128xf32>
    %add3A = arith.addf %get3A_3, %get3A_8 : vector<2000x128xf32>
    %get3A_9 = arith.constant 0 : index
    %get3A_10 = arith.constant 0 : index
    %get3A_11 = vector.load %arg3[%get3A_9, %get3A_10] : memref<128x128xf32, #tpu.memory_space<vmem>>, vector<128x128xf32>
    %dot_general3A = arith.constant dense<0.000000e+00> : vector<2000x128xf32>
    %dot_general3A_12 = tpu.matmul %add3A, %get3A_11, %dot_general3A {dimension_numbers = #tpu.dot_dimension_numbers<[1], [1], [0], [0], [0, 0, 1, 0], [], []>, transpose_lhs_hint = false} : vector<2000x128xf32>, vector<128x128xf32>, vector<2000x128xf32> -> vector<2000x128xf32>
    %get3A_13 = arith.constant 0 : index
    %get3A_14 = arith.constant 0 : index
    %get3A_15 = vector.load %arg2[%get3A_13, %get3A_14] : memref<2000x128xf32, #tpu.memory_space<vmem>>, vector<2000x128xf32>
    %get3A_16 = arith.constant 0 : index
    %get3A_17 = arith.constant 0 : index
    %get3A_18 = vector.load %arg5[%get3A_16, %get3A_17] : memref<128x128xf32, #tpu.memory_space<vmem>>, vector<128x128xf32>
    %dot_general3A_19 = arith.constant dense<0.000000e+00> : vector<2000x128xf32>
    %dot_general3A_20 = tpu.matmul %get3A_15, %get3A_18, %dot_general3A_19 {dimension_numbers = #tpu.dot_dimension_numbers<[1], [1], [0], [0], [0, 0, 1, 0], [], []>, transpose_lhs_hint = false} : vector<2000x128xf32>, vector<128x128xf32>, vector<2000x128xf32> -> vector<2000x128xf32>
    %add3A_21 = arith.addf %dot_general3A_12, %dot_general3A_20 : vector<2000x128xf32>
    %get3A_22 = arith.constant 0 : index
    %get3A_23 = arith.constant 0 : index
    %get3A_24 = vector.load %arg4[%get3A_22, %get3A_23] : memref<1x128xf32, #tpu.memory_space<vmem>>, vector<1x128xf32>
    %add3A_25 = vector.broadcast %get3A_24 : vector<1x128xf32> to vector<2000x128xf32>
    %add3A_26 = arith.addf %add3A_21, %add3A_25 : vector<2000x128xf32>
    %max3A = arith.constant 0.000000e+00 : f32
    %max3A_27 = vector.broadcast %max3A : f32 to vector<2000x128xf32>
    %max3A_28 = arith.maximumf %add3A_26, %max3A_27 : vector<2000x128xf32>
    %swap3A = arith.constant 0 : index
    %swap3A_29 = arith.constant 0 : index
    %swap3A_30 = vector.load %arg6[%swap3A, %swap3A_29] : memref<2000x128xf32, #tpu.memory_space<vmem>>, vector<2000x128xf32>
    tpu.vector_store %arg6[%swap3A, %swap3A_29], %max3A_28 {strides = array<i32>} : memref<2000x128xf32, #tpu.memory_space<vmem>>, vector<2000x128xf32>,
    return
  }
  func.func @transform_0(%arg0: i32) -> (i32, i32, i32) {
    %c0_i32 = arith.constant 0 : i32
    %c0_i32_0 = arith.constant 0 : i32
    %c0_i32_1 = arith.constant 0 : i32
    return %c0_i32, %arg0, %c0_i32_0 : i32, i32, i32
  }
  func.func @transform_1(%arg0: i32) -> (i32, i32) {
    %c0_i32 = arith.constant 0 : i32
    %c0_i32_0 = arith.constant 0 : i32
    return %arg0, %c0_i32 : i32, i32
  }
  func.func @transform_2(%arg0: i32) -> (i32, i32) {
    %c0_i32 = arith.constant 0 : i32
    %c0_i32_0 = arith.constant 0 : i32
    %c0_i32_1 = arith.constant 0 : i32
    return %c0_i32, %c0_i32_0 : i32, i32
  }
  func.func @transform_3(%arg0: i32) -> (i32, i32) {
    %c0_i32 = arith.constant 0 : i32
    %c0_i32_0 = arith.constant 0 : i32
    %c0_i32_1 = arith.constant 0 : i32
    return %c0_i32, %c0_i32_0 : i32, i32
  }
  func.func @transform_4(%arg0: i32) -> (i32, i32) {
    %c0_i32 = arith.constant 0 : i32
    %c0_i32_0 = arith.constant 0 : i32
    %c0_i32_1 = arith.constant 0 : i32
    return %c0_i32, %c0_i32_0 : i32, i32
  }
  func.func @transform_5(%arg0: i32) -> (i32, i32) {
    %c0_i32 = arith.constant 0 : i32
    %c0_i32_0 = arith.constant 0 : i32
    return %arg0, %c0_i32 : i32, i32
  }
}

module attributes {stable_mosaic.version = 14 : i64} {
  func.func @_tc_final_body(%arg0: i32, %arg1: memref<2x2000x128xf32, #tpu.memory_space<vmem>>, %arg2: memref<2000x128xf32, #tpu.memory_space<vmem>>, %arg3: memref<128x128xf32, #tpu.memory_space<vmem>>, %arg4: memref<1x128xf32, #tpu.memory_space<vmem>>, %arg5: memref<128x128xf32, #tpu.memory_space<vmem>>, %arg6: memref<1x128xf32, #tpu.memory_space<vmem>>, %arg7: memref<2000x1xf32, #tpu.memory_space<vmem>>) attributes {dimension_semantics = [#tpu.dimension_semantics<arbitrary>], iteration_bounds = array<i64: 5>, scalar_prefetch = 0 : i64, scratch_operands = 0 : i64, tpu.core_type = #tpu.core_type<tc>, window_params = [{transform_indices = @transform_0, window_bounds = array<i64: 2, 2000, 128>}, {transform_indices = @transform_1, window_bounds = array<i64: 2000, 128>}, {pipeline_mode = #tpu.pipeline_mode<synchronous>, transform_indices = @transform_2, window_bounds = array<i64: 128, 128>}, {pipeline_mode = #tpu.pipeline_mode<synchronous>, transform_indices = @transform_3, window_bounds = array<i64: 1, 128>}, {pipeline_mode = #tpu.pipeline_mode<synchronous>, transform_indices = @transform_4, window_bounds = array<i64: 128, 128>}, {pipeline_mode = #tpu.pipeline_mode<synchronous>, transform_indices = @transform_5, window_bounds = array<i64: 1, 128>}, {transform_indices = @transform_6, window_bounds = array<i64: 2000, 1>}]} {
    %get3A = arith.constant 0 : index
    %get3A_0 = arith.constant 0 : index
    %get3A_1 = arith.constant 0 : index
    %get3A_2 = vector.load %arg1[%get3A, %get3A_0, %get3A_1] : memref<2x2000x128xf32, #tpu.memory_space<vmem>>, vector<1x2000x128xf32>
    %get3A_3 = vector.shape_cast %get3A_2 : vector<1x2000x128xf32> to vector<2000x128xf32>
    %get3A_4 = arith.constant 1 : index
    %get3A_5 = arith.constant 0 : index
    %get3A_6 = arith.constant 0 : index
    %get3A_7 = vector.load %arg1[%get3A_4, %get3A_5, %get3A_6] : memref<2x2000x128xf32, #tpu.memory_space<vmem>>, vector<1x2000x128xf32>
    %get3A_8 = vector.shape_cast %get3A_7 : vector<1x2000x128xf32> to vector<2000x128xf32>
    %add3A = arith.addf %get3A_3, %get3A_8 : vector<2000x128xf32>
    %get3A_9 = arith.constant 0 : index
    %get3A_10 = arith.constant 0 : index
    %get3A_11 = vector.load %arg3[%get3A_9, %get3A_10] : memref<128x128xf32, #tpu.memory_space<vmem>>, vector<128x128xf32>
    %dot_general3A = arith.constant dense<0.000000e+00> : vector<2000x128xf32>
    %dot_general3A_12 = tpu.matmul %add3A, %get3A_11, %dot_general3A {dimension_numbers = #tpu.dot_dimension_numbers<[1], [1], [0], [0], [0, 0, 1, 0], [], []>, transpose_lhs_hint = false} : vector<2000x128xf32>, vector<128x128xf32>, vector<2000x128xf32> -> vector<2000x128xf32>
    %get3A_13 = arith.constant 0 : index
    %get3A_14 = arith.constant 0 : index
    %get3A_15 = vector.load %arg2[%get3A_13, %get3A_14] : memref<2000x128xf32, #tpu.memory_space<vmem>>, vector<2000x128xf32>
    %get3A_16 = arith.constant 0 : index
    %get3A_17 = arith.constant 0 : index
    %get3A_18 = vector.load %arg5[%get3A_16, %get3A_17] : memref<128x128xf32, #tpu.memory_space<vmem>>, vector<128x128xf32>
    %dot_general3A_19 = arith.constant dense<0.000000e+00> : vector<2000x128xf32>
    %dot_general3A_20 = tpu.matmul %get3A_15, %get3A_18, %dot_general3A_19 {dimension_numbers = #tpu.dot_dimension_numbers<[1], [1], [0], [0], [0, 0, 1, 0], [], []>, transpose_lhs_hint = false} : vector<2000x128xf32>, vector<128x128xf32>, vector<2000x128xf32> -> vector<2000x128xf32>
    %add3A_21 = arith.addf %dot_general3A_12, %dot_general3A_20 : vector<2000x128xf32>
    %get3A_22 = arith.constant 0 : index
    %get3A_23 = arith.constant 0 : index
    %get3A_24 = vector.load %arg4[%get3A_22, %get3A_23] : memref<1x128xf32, #tpu.memory_space<vmem>>, vector<1x128xf32>
    %add3A_25 = vector.broadcast %get3A_24 : vector<1x128xf32> to vector<2000x128xf32>
    %add3A_26 = arith.addf %add3A_21, %add3A_25 : vector<2000x128xf32>
    %max3A = arith.constant 0.000000e+00 : f32
    %max3A_27 = vector.broadcast %max3A : f32 to vector<2000x128xf32>
    %max3A_28 = arith.maximumf %add3A_26, %max3A_27 : vector<2000x128xf32>
    %get3A_29 = arith.constant 0 : index
    %get3A_30 = arith.constant 0 : index
    %get3A_31 = vector.load %arg6[%get3A_29, %get3A_30] : memref<1x128xf32, #tpu.memory_space<vmem>>, vector<1x128xf32>
    %dot_general3A_32 = arith.constant dense<0.000000e+00> : vector<2000x1xf32>
    %dot_general3A_33 = tpu.matmul %max3A_28, %get3A_31, %dot_general3A_32 {dimension_numbers = #tpu.dot_dimension_numbers<[1], [1], [0], [0], [0, 0, 1, 0], [], []>, transpose_lhs_hint = false} : vector<2000x128xf32>, vector<1x128xf32>, vector<2000x1xf32> -> vector<2000x1xf32>
    %swap3A = arith.constant 0 : index
    %swap3A_34 = arith.constant 0 : index
    %swap3A_35 = vector.load %arg7[%swap3A, %swap3A_34] : memref<2000x1xf32, #tpu.memory_space<vmem>>, vector<2000x1xf32>
    tpu.vector_store %arg7[%swap3A, %swap3A_34], %dot_general3A_33 {strides = array<i32>} : memref<2000x1xf32, #tpu.memory_space<vmem>>, vector<2000x1xf32>,
    return
  }
  func.func @transform_0(%arg0: i32) -> (i32, i32, i32) {
    %c0_i32 = arith.constant 0 : i32
    %c0_i32_0 = arith.constant 0 : i32
    %c0_i32_1 = arith.constant 0 : i32
    return %c0_i32, %arg0, %c0_i32_0 : i32, i32, i32
  }
  func.func @transform_1(%arg0: i32) -> (i32, i32) {
    %c0_i32 = arith.constant 0 : i32
    %c0_i32_0 = arith.constant 0 : i32
    return %arg0, %c0_i32 : i32, i32
  }
  func.func @transform_2(%arg0: i32) -> (i32, i32) {
    %c0_i32 = arith.constant 0 : i32
    %c0_i32_0 = arith.constant 0 : i32
    %c0_i32_1 = arith.constant 0 : i32
    return %c0_i32, %c0_i32_0 : i32, i32
  }
  func.func @transform_3(%arg0: i32) -> (i32, i32) {
    %c0_i32 = arith.constant 0 : i32
    %c0_i32_0 = arith.constant 0 : i32
    %c0_i32_1 = arith.constant 0 : i32
    return %c0_i32, %c0_i32_0 : i32, i32
  }
  func.func @transform_4(%arg0: i32) -> (i32, i32) {
    %c0_i32 = arith.constant 0 : i32
    %c0_i32_0 = arith.constant 0 : i32
    %c0_i32_1 = arith.constant 0 : i32
    return %c0_i32, %c0_i32_0 : i32, i32
  }
  func.func @transform_5(%arg0: i32) -> (i32, i32) {
    %c0_i32 = arith.constant 0 : i32
    %c0_i32_0 = arith.constant 0 : i32
    %c0_i32_1 = arith.constant 0 : i32
    return %c0_i32, %c0_i32_0 : i32, i32
  }
  func.func @transform_6(%arg0: i32) -> (i32, i32) {
    %c0_i32 = arith.constant 0 : i32
    %c0_i32_0 = arith.constant 0 : i32
    return %arg0, %c0_i32 : i32, i32
  }
}

</mosaic_0001>

<sc_bundles>
// kernel: kernel.11.cloned.1.call-start
scs
__scs_entry_jumppad:
0x0: {  	(pc) =	sbr.rel $0x88, $3  }
0x1: {  	(tag) =	ssettag $0x0;
	lr =	simm.s32 $0x1  }
0x2: {  	[smem:$0x3F9B] =	sst lr;
	_ =	strace $0xD0000000  }
0x3: {  	_ = 	snop  }
0x4: {  	_ = 	snop  }
0x5: {  	_ = 	snop  }
0x6: {  	_ = 	snop  }
0x7: {  	_ = 	snop  }
__scs_overlays_trampoline_lowered:
0x8: {  	[smem:$0x3FAA] =	sst s0  }
0x9: {  	[smem:$0x3FAB] =	sst s1  }
0xa: {  	[smem:$0x3FAC] =	sst s2  }
0xb: {  	[smem:$0x3FAD] =	sst s3  }
0xc: {  	[smem:$0x3FAE] =	sst s4  }
0xd: {  	[smem:$0x3FAF] =	sst s5  }
0xe: {  	[smem:$0x3FB0] =	sst s6  }
0xf: {  	[smem:$0x3FB1] =	sst s7  }
0x10: {  	[smem:$0x3FB2] =	sst s8  }
0x11: {  	[smem:$0x3FB3] =	sst s9;
	s0 =	simm.s32 @!p0 $0x0  }
0x12: {  	s1 =	sld [smem:$0x3F99];
	s0 =	simm.s32 @p0 $0x1  }
0x13: {  	[smem:$0x3FB4] =	sst s0;
	s0 =	simm.s32 @!p1 $0x0  }
0x14: {  	s2 =	sld [smem:$0x3F98];
	s0 =	simm.s32 @p1 $0x1  }
0x15: {  	[smem:$0x3FB5] =	sst s0;
	s0 =	simm.s32 @!p2 $0x0  }
0x16: {  	s3 =	sld [smem:$0x3FDB];
	s0 =	simm.s32 @p2 $0x1  }
0x17: {  	s4 =	simm.s32 $0x1BF5;
	[smem:$0x3FB7] =	sst s0  }
0x18: {  	s0 =	sld [smem:$0x3F9A];
	_ =	swait.ge [sflag:s4], $0x0  }
0x19: {  	s7 =	sld [smem:$0x3F9B]  }
0x1a: {  	s8 =	sadd.s32 $0xFFFFE003, lr  }
0x1b: {  	s9 =	sadd.s32 $0xFFFFFEF7, lr;
	s5 =	simm.s32 $0xFFFFFFFF;
	p2 =	slt.u32 s8, $0xFFFFF086  }
0x1c: {  	p1 =	slt.u32 s9, $0xF7A;
	s5 =	simm.s32 @!p2 $0x0  }
0x1d: {  	s5 =	simm.s32 @p1 $0x1;
	p0 =	seq.s32 s7, s2  }
0x1e: {  	s7 =	smul.u32 @!p0 $0xF7A, s2;
	p2 =	seq.s32 @!p0 s5, $0x0  }
0x1f: {  	s9 =	smul.u32 $0xF7A, s1;
	s8 =	simm.s32 @!p0 $0x1BF5;
	p2 =	por !p2, p0  }
0x20: {  	[sflag:s8] =	ssyncset.s32 @!p0 $0xFFFFF086;
	s6 =	sadd.s32 @!p0 s3, s7;
	s7 =	simm.s32 @!p0 $0x108  }
0x21: {  	s3 =	sadd.s32 s3, s9;
	s6 =	sadd.s32 @!p0 $0x88, s6;
	s7 =	simm.s32 @p2 $0x1082  }
0x22: {  	[simem:s7], [sflag:s8] =	dma.local @!p0 [hbm:s6], $0xF7A  }
0x23: {  	s9 =	sor.u32 $0xD0000000, s2;
	s6 =	simm.s32 $0x108;
	_ =	swait.ge @!p0 [sflag:s8], $0x0  }
0x24: {  	s3 =	sadd.s32 $0x88, s3;
	s6 =	simm.s32 @!p1 $0x1082;
	[sflag:s4] =	ssyncset.s32 $0xFFFFF086  }
0x25: {  	[simem:s6], [sflag:s4] =	dma.local [hbm:s3], $0xF7A  }
0x26: {  	[smem:$0x3F9B] =	sst s1;
	(tag) =	ssettag s2;
	_ =	strace s9  }
0x27: {  	s1 =	sld [smem:$0x3FAB]  }
0x28: {  	s2 =	sld [smem:$0x3FAC]  }
0x29: {  	s4 =	sld [smem:$0x3FAE]  }
0x2a: {  	p0 =	seq.s32 s5, $0x0;
	s5 =	sld [smem:$0x3FAF]  }
0x2b: {  	s6 =	sld [smem:$0x3FB0]  }
0x2c: {  	s7 =	sld [smem:$0x3FB1]  }
0x2d: {  	s3 =	simm.s32 $0x108;
	s8 =	sld [smem:$0x3FB2]  }
0x2e: {  	s3 =	simm.s32 @!p0 $0x1082;
	s9 =	sld [smem:$0x3FB3]  }
0x2f: {  	lr =	sadd.s32 s0, s3;
	s0 =	sld [smem:$0x3FAA]  }
0x30: {  	s3 =	sld [smem:$0x3FAD]  }
0x31: {  	[smem:$0x3FB6] =	sst s10  }
0x32: {  	s10 =	sld [smem:$0x3FB4];
	_ =	sdelay $0x3  }
0x33: {  	p0 =	seq.s32 s10, $0x1;
	s10 =	sld [smem:$0x3FB6];
	_ =	sdelay $0x3  }
0x34: {  	[smem:$0x3FB6] =	sst s10  }
0x35: {  	s10 =	sld [smem:$0x3FB5];
	_ =	sdelay $0x3  }
0x36: {  	p1 =	seq.s32 s10, $0x1;
	s10 =	sld [smem:$0x3FB6];
	_ =	sdelay $0x3  }
0x37: {  	[smem:$0x3FB6] =	sst s10  }
0x38: {  	s10 =	sld [smem:$0x3FB7]  }
0x39: {  	_ = 	snop;
	(pc) =	sbr.ind lr, $3  }
0x3a: {  	_ = 	snop  }
0x3b: {  	_ = 	snop  }
0x3c: {  	p2 =	seq.s32 s10, $0x1;
	s10 =	sld [smem:$0x3FB6]  }
0x3d: {  	_ =	shalt  }
0x3e: {  	_ =	shalt  }
0x3f: {  	_ =	shalt  }
0x40: {  	_ =	shalt  }
0x41: {  	_ =	shalt  }
0x42: {  	_ =	shalt  }
0x43: {  	_ =	shalt  }
0x44: {  	_ =	shalt  }
0x45: {  	_ =	shalt  }
0x46: {  	_ =	shalt  }
0x47: {  	_ =	shalt  }
0x48: {  	_ =	shalt  }
0x49: {  	_ =	shalt  }
0x4a: {  	_ =	shalt  }
0x4b: {  	_ =	shalt  }
0x4c: {  	_ =	shalt  }
0x4d: {  	_ =	shalt  }
0x4e: {  	_ =	shalt  }
0x4f: {  	_ =	shalt  }
0x50: {  	_ =	shalt  }
0x51: {  	_ =	shalt  }
0x52: {  	_ =	shalt  }
0x53: {  	_ =	shalt  }
0x54: {  	_ =	shalt  }
0x55: {  	_ =	shalt  }
0x56: {  	_ =	shalt  }
0x57: {  	_ =	shalt  }
0x58: {  	_ =	shalt  }
0x59: {  	_ =	shalt  }
0x5a: {  	_ =	shalt  }
0x5b: {  	_ =	shalt  }
0x5c: {  	_ =	shalt  }
0x5d: {  	_ =	shalt  }
0x5e: {  	_ =	shalt  }
0x5f: {  	_ =	shalt  }
0x60: {  	_ =	shalt  }
0x61: {  	_ =	shalt  }
0x62: {  	_ =	shalt  }
0x63: {  	_ =	shalt  }
0x64: {  	_ =	shalt  }
0x65: {  	_ =	shalt  }
0x66: {  	_ =	shalt  }
0x67: {  	_ =	shalt  }
0x68: {  	_ =	shalt  }
0x69: {  	_ =	shalt  }
0x6a: {  	_ =	shalt  }
0x6b: {  	_ =	shalt  }
0x6c: {  	_ =	shalt  }
0x6d: {  	_ =	shalt  }
0x6e: {  	_ =	shalt  }
0x6f: {  	_ =	shalt  }
0x70: {  	_ =	shalt  }
0x71: {  	_ =	shalt  }
0x72: {  	_ =	shalt  }
0x73: {  	_ =	shalt  }
0x74: {  	_ =	shalt  }
0x75: {  	_ =	shalt  }
0x76: {  	_ =	shalt  }
0x77: {  	_ =	shalt  }
0x78: {  	_ =	shalt  }
0x79: {  	_ =	shalt  }
0x7a: {  	_ =	shalt  }
0x7b: {  	_ =	shalt  }
0x7c: {  	_ =	shalt  }
0x7d: {  	_ =	shalt  }
0x7e: {  	_ =	shalt  }
0x7f: {  	_ =	shalt  }
0x80: {  	_ =	shalt  }
0x81: {  	_ =	shalt  }
0x82: {  	_ =	shalt  }
0x83: {  	_ =	shalt  }
0x84: {  	_ =	shalt  }
0x85: {  	_ =	shalt  }
0x86: {  	_ =	shalt  }
0x87: {  	_ =	shalt  }
.Lfunc_end0:
.L_simem_size_0:
called_computation.1_lowered:
.L_overlay_start_0:
0x88: {  	s2 =	sld [smem:$0x3FD9]  }
0x89: {  	s3 =	sld [smem:$0x3FFE];
	_ =	sdelay $0x1  }
0x8a: {  	s1 =	srdreg.scid  }
0x8b: {  	s0 =	sand.u32 $0x1, s1  }
0x8c: {  	s16 =	sshll.u32 s0, $0xA;
	s2 =	sadd.s32 s3, s2  }
0x8d: {  	s2 =	sadd.s32 s2, s16  }
0x8e: {  	[smem:$0x3FC2] =	sst s2  }
0x8f: {  	_ = 	snop  }
0x90: {  	(tm) =	ssettm $0x1  }
0x91: {  	s17 =	sld [smem:$0x3FFB];
	_ =	sdelay $0x3  }
0x92: {  	_ =	strace s17  }
0x93: {  	s2 =	sld [smem:$0x3FFC];
	_ =	sdelay $0x3  }
0x94: {  	_ =	strace s2  }
0x95: {  	s2 =	sld [smem:$0x3FFD];
	_ =	sdelay $0x3  }
0x96: {  	_ =	strace s2  }
0x97: {  	_ =	strace $0x8FFFFFFF  }
0x98: {  	s18 =	sld [smem:$0x3FDB];
	_ =	sdelay $0x1  }
0x99: {  	s19 =	simm.s32 $_scs_section_size  }
0x9a: {  	s4 =	simm.s32 $_size__tile_overlayer_lowered;
	s5 =	simm.s32 $_tile_overlayer_lowered  }
0x9b: {  	s22 =	simm.s32 $0x1BFF;
	s21 =	sshll.u32 s5, $0x1;
	s2 =	sadd.s32 s19, s18  }
0x9c: {  	s6 =	simm.s32 $0x0;
	s20 =	sshll.u32 s4, $0x1;
	s4 =	sadd.s32 s21, s2  }
0x9d: {  	[timem:s6], [sflag:s22] =	dma.local [hbm:s4], s20  }
0x9e: {  	_ =	swait.ge [sflag:s22], s20  }
0x9f: {  	s3 =	ssub.s32 $0x0, s20;
	[sflag:s22] =	ssyncset.done $0x0  }
0xa0: {  	[sflag:s22] =	ssyncadd.s32 s3;
	_ =	sdelay $0x1  }
0xa1: {  	s23 =	simm.s32 $0x1B8B  }
0xa2: {  	_ =	swait.ge [sflag:s23], $0x1  }
0xa3: {  	[sflag:s23] =	ssyncset.done $0x0  }
0xa4: {  	s25 =	simm.s32 $0x1B8E;
	s24 =	sld [smem:$0x3FFE];
	[sflag:s23] =	ssyncadd.s32 $0xFFFFFFFF  }
0xa5: {  	s26 =	simm.s32 $execute0_lowered;
	[smem:$0x3FD2] =	sst s25  }
0xa6: {  	s4 =	sshll.u32 s26, $0x1;
	_ =	strace $0x80000049;
	[dreg:$0x1] =	wrdreg $0xFFFFFFFF  }
0xa7: {  	s28 =	simm.s32 $_size_execute0_lowered;
	s2 =	sadd.s32 s2, s4;
	[dreg:$0x0] =	wrdreg $0x0  }
0xa8: {  	s4 =	sshll.u32 s28, $0x1;
	[dreg:$0x2] =	wrdreg s2  }
0xa9: {  	[dreg:$0x3] =	wrdreg s4  }
0xaa: {  	[dreg:$0x4] =	wrdreg $0xC0  }
0xab: {  	_ =	task [dreg:s6], $0x5FFFF  }
0xac: {  	[dreg:$0x1] =	wrdreg $0xFFFFFFFF  }
0xad: {  	[dreg:$0x0] =	wrdreg $0x60  }
0xae: {  	[dreg:$0x2] =	wrdreg s24  }
0xaf: {  	[dreg:$0x3] =	wrdreg $0xB1000  }
0xb0: {  	[dreg:$0x4] =	wrdreg $0x9  }
0xb1: {  	_ =	task.clear_ibuf [dreg:s6], $0x5FFFF;
	_ =	strace $0x90000049  }
0xb2: {  	s29 =	simm.s32 $0x9;
	_ =	strace $0x8000004B  }
0xb3: {  	_ =	swait.ge [sflag:s29], $0x1  }
0xb4: {  	[sflag:s29] =	ssyncadd.s32 $0xFFFFFFFF  }
0xb5: {  	_ =	strace $0x9000004B  }
0xb6: {  	_ =	sfence  }
0xb7: {  	s30 =	sld [smem:$0x0];
	_ =	sdelay $0x2  }
0xb8: {  	s31 =	sshll.u32 s1, $0xD;
	s1 =	sshrl.u32 s1, $0x2  }
0xb9: {  	s3 =	sand.u32 $0x4000, s31;
	s1 =	sadd.s32 s1, s30  }
0xba: {  	s0 =	sor.u32 s3, s0;
	s1 =	sshll.u32 s1, $0x11  }
0xbb: {  	s0 =	sor.u32 s1, s0  }
0xbc: {  	s0 =	sadd.s32 $0x8F2B, s0  }
0xbd: {  	[sflag:s0] =	ssyncadd.remote.s32 $0x1  }
0xbe: {  	_ =	sfence.sel $0xFFFF  }
0xbf: {  	[dreg:$0x0] =	wrdreg $0xFFFFFFFF;
	(pc) =	sbr.abs _section_cstart, $3  }
0xc0: {  	[dreg:$0x1] =	wrdreg $0xFFFFFFFF  }
0xc1: {  	_ =	task.clear_ibuf [dreg:s6], $0x2FFFF;
	_ =	strace $0x9FFFFFFF  }
0xc2: {  	(tm) =	ssettm $0x7FFFFFFF  }
0xc3: {  	_ =	shalt  }
tec
execute0_lowered:
.L_overlay_start_1:
0x0: {  	(tag) =	ssettag $0x1  }
0x1: {  	s0 =	srdreg.scid  }
0x2: {  	s11 =	stileid.u32;
	s6 =	rddreg [dreg:$0x0]  }
0x3: {  	s2 =	rddreg [dreg:$0x1];
	s3 =	simm.s32 $0x0;
	s16 =	simm.s32 $0x5  }
0x4: {  	s17 =	simm.s32 $0x2900;
	s18 =	simm.s32 $0x80;
	s19 =	simm.s32 $0x2780  }
0x5: {  	s20 =	simm.s32 $0x6900;
	s29 =	simm.s32 $0xA900;
	s7 =	smul.u32 $0x2800, s11  }
0x6: {  	s30 =	simm.s32 $0x2880;
	s31 =	simm.s32 $0x0;
	s10 =	smul.u32 $0x4E20, s11  }
0x7: {  	s0 =	sand.u32 $0x1, s0;
	s1 =	sshll.u32 s11, $0x1;
	s24 =	smul.u32 $0xA000, s11  }
0x8: {  	[smem:$0x7FF] =	sst s3;
	s4 =	sadd.s32 $0x15E00, s6;
	s5 =	smul.u32 $0x138800, s0  }
0x9: {  	s1 =	sor.u32 s0, s1;
	s9 =	ssub.s32 $0x2, s0;
	s0 =	smul.u32 $0x2710, s0  }
0xa: {  	s23 =	ssub.s32 $0x8C, s11;
	_ =	strace $0x8000004A;
	s1 =	smul.u32 $0x2710, s1  }
0xb: {  	s21 =	sshrl.u32 s9, $0x1;
	s7 =	sadd.s32 s7, s5;
	s5 =	sadd.s32 $0x2200, s6  }
0xc: {  	s0 =	sadd.s32 s0, s10;
	s1 =	sshrl.u32 s1, $0x3;
	s7 =	sshrl.u32 s7, $0x3  }
0xd: {  	s13 =	sadd.s32 $0x180, s0;
	s28 =	sadd.s32 $0x100, s0;
	s8 =	sadd.s32 s1, s6  }
0xe: {  	s12 =	sadd.s32 s7, s6;
	s6 =	ssub.s32 s9, s21;
	s7 =	sadd.s32 s5, s1  }
0xf: {  	s1 =	sshrl.u32 s24, $0x2;
	s26 =	sshrl.u32 s13, $0x3;
	s21 =	simm.s32 $0x2800  }
0x10: {  	s24 =	simm.s32 $0x2;
	s22 =	sadd.s32 $0xC000, s8;
	s8 =	sshrl.u32 s23, $0x4  }
0x11: {  	s25 =	sadd.s32 $0x10, s7;
	s10 =	sadd.s32 $0x4E0, s7;
	s11 =	smax.u32 s6, $0x1  }
0x12: {  	s6 =	sadd.s32 s1, s2;
	s14 =	sadd.s32 s26, s5;
	s15 =	sadd.s32 $0x3D000, s12  }
0x13: {  	s23 =	simm.s32 $0x3;
	s26 =	simm.s32 $0x10;
	[dreg:$0x3] =	wrdreg s22  }
0x14: {  	v0 =	vimm.f32 $0.0e+00;
	[dreg:$0x4] =	wrdreg s25;
	s22 =	simm.s32 $0x1;
	s25 =	simm.s32 $0x4  }
.LBB2_1:
0x15: {  	s0 =	simm.s32 $0x70;
	s1 =	simm.s32 $0x3C0  }
.LBB2_2:
0x16: {  	p0 =	sne.s32 s1, $0x9FC0;
	[tilespmem:s0+$0x2900] =	vst v0  }
0x17: {  	[tilespmem:s0+$0x2890] =	vst v0  }
0x18: {  	[tilespmem:s0+$0x28A0] =	vst v0  }
.Ltmp0:
0x19: {  	[tilespmem:s0+$0x28B0] =	vst v0;
	(pc) =	sbr.rel @p0 .LBB2_2-.Ltmp0, $4  }
0x1a: {  	[tilespmem:s0+$0x28C0] =	vst v0  }
0x1b: {  	[tilespmem:s0+$0x28D0] =	vst v0  }
0x1c: {  	[tilespmem:s0+$0x28E0] =	vst v0  }
0x1d: {  	[tilespmem:s0+$0x28F0] =	vst v0;
	s0 =	sshra.s32 s1, $0x2;
	s1 =	sadd.s32 $0x200, s1  }
0x1e: {  	[tilespmem:s0+$0x2900] =	vst v0  }
0x1f: {  	[tilespmem:s0+$0x2890] =	vst v0  }
0x20: {  	[tilespmem:s0+$0x28A0] =	vst v0  }
0x21: {  	[tilespmem:s0+$0x28B0] =	vst v0  }
0x22: {  	[tilespmem:s0+$0x28C0] =	vst v0  }
0x23: {  	[tilespmem:s0+$0x28D0] =	vst v0  }
0x24: {  	[tilespmem:s0+$0x28E0] =	vst v0  }
0x25: {  	[tilespmem:s0+$0x28F0] =	vst v0;
	s13 =	rddreg [dreg:$0x3]  }
0x26: {  	[tilespmem:s3], [sflag:$0x5] =	stream.linear.gather [hbm4b:s13+s3], $0x2710, $0x38;
	[tilespmem:$0x1E980] =	vst v63  }
0x27: {  	p0 =	sne.s32 s8, $0x1;
	_ =	swait.ge [sflag:s16], $0x2710  }
.Ltmp1:
0x28: {  	[sflag:s16] =	ssyncset.done $0x0;
	(pc) =	sbr.rel @!p0 .LBB2_5-.Ltmp1, $4  }
0x29: {  	[sflag:s16] =	ssyncadd.s32 $0xFFFFD8F0  }
0x2a: {  	[spmem:s6] =	stream.linear.scatter [tilespmem:s17], [sflag:$0x5], $0x2800, $0x38;
	[tilespmem:$0x1E980] =	vst v63  }
0x2b: {  	_ =	swait.ge [sflag:s16], $0x2800  }
0x2c: {  	s0 =	sadd.s32 $0xFFFFFFFF, s8;
	s1 =	smov.u32 s6;
	[sflag:s16] =	ssyncset.done $0x0  }
.LBB2_4:
0x2d: {  	p1 =	sne.s32 s0, $0x1;
	[sflag:s16] =	ssyncadd.s32 $0xFFFFD800;
	s1 =	sadd.s32 $0x28000, s1  }
.Ltmp2:
0x2e: {  	s0 =	sadd.s32 $0xFFFFFFFF, s0;
	(pc) =	sbr.rel @p1 .LBB2_4-.Ltmp2, $4  }
0x2f: {  	_ = 	snop  }
0x30: {  	[spmem:s1] =	stream.linear.scatter [tilespmem:s17], [sflag:$0x5], $0x2800, $0x38;
	[tilespmem:$0x1E980] =	vst v63  }
0x31: {  	_ =	swait.ge [sflag:s16], $0x2800  }
0x32: {  	[sflag:s16] =	ssyncset.done $0x0  }
.LBB2_5:
0x33: {  	[sflag:s16] =	ssyncadd.s32 $0xFFFFD800  }
0x34: {  	s0 =	simm.s32 $0x0;
	[bflag:$0x0] =	sbarrier.arrive $0xFFFF  }
0x35: {  	[tilespmem:s17], [sflag:$0x1] =	stream.indirect.gather [hbm4b:s4+s18], $0x80, s0, s18, $0xb8;
	[tilespmem:$0x1E980] =	vst v63  }
0x36: {  	_ = 	snop  }
0x37: {  	[tilespmem:s19], [sflag:$0x3] =	stream.linear.gather [hbm4b:s7+s0], $0x80, $0x38;
	[tilespmem:$0x1E980] =	vst v63  }
0x38: {  	_ = 	snop  }
0x39: {  	[tilespmem:s20], [sflag:$0x2] =	stream.indirect.gather [hbm4b:s4+s18], $0x80, s18, s18, $0xb8;
	[tilespmem:$0x1E980] =	vst v63  }
0x3a: {  	s1 =	rddreg [dreg:$0x4]  }
0x3b: {  	[tilespmem:s21], [sflag:$0x4] =	stream.linear.gather [hbm4b:s1+s0], $0x80, $0x38;
	[tilespmem:$0x1E980] =	vst v63  }
0x3c: {  	_ =	swait.ge [sflag:s22], $0x4000  }
0x3d: {  	[sflag:s22] =	ssyncset.done $0x0  }
0x3e: {  	[sflag:s22] =	ssyncadd.s32 $0xFFFFC000  }
0x3f: {  	_ =	swait.ge [sflag:s23], $0x80  }
0x40: {  	[sflag:s23] =	ssyncset.done $0x0  }
0x41: {  	s9 =	sshrl.u32 s28, $0x3;
	s1 =	simm.s32 $0x100;
	[sflag:s23] =	ssyncadd.s32 $0xFFFFFF80  }
0x42: {  	[tilespmem:s17], [sflag:$0x1] =	stream.indirect.gather [hbm4b:s4+s18], $0x80, s1, s18, $0xb8;
	[tilespmem:$0x1E980] =	vst v63  }
0x43: {  	s0 =	sadd.s32 s5, s9  }
0x44: {  	[tilespmem:s19], [sflag:$0x3] =	stream.linear.gather [hbm4b:s0+s3], $0x80, $0x38;
	[tilespmem:$0x1E980] =	vst v63  }
0x45: {  	_ = 	snop  }
0x46: {  	[spmem:s2] =	stream.indirect.scatter.add.f32 [tilespmem:s17], [sflag:$0x5], $0x80, s19, s18, $0xb8;
	[tilespmem:$0x1E980] =	vst v63  }
0x47: {  	_ =	swait.ge [sflag:s16], $0x4000  }
0x48: {  	[sflag:s16] =	ssyncset.done $0x0  }
0x49: {  	[sflag:s16] =	ssyncadd.s32 $0xFFFFC000  }
0x4a: {  	_ =	swait.ge [sflag:s24], $0x4000  }
0x4b: {  	[sflag:s24] =	ssyncset.done $0x0  }
0x4c: {  	[sflag:s24] =	ssyncadd.s32 $0xFFFFC000  }
0x4d: {  	_ =	swait.ge [sflag:s25], $0x80  }
0x4e: {  	[sflag:s25] =	ssyncset.done $0x0  }
0x4f: {  	s12 =	simm.s32 $0x180;
	[sflag:s25] =	ssyncadd.s32 $0xFFFFFF80  }
0x50: {  	[tilespmem:s20], [sflag:$0x2] =	stream.indirect.gather [hbm4b:s4+s18], $0x80, s12, s18, $0xb8;
	[tilespmem:$0x1E980] =	vst v63  }
0x51: {  	s13 =	sadd.s32 $0x0, s14  }
0x52: {  	[tilespmem:s21], [sflag:$0x4] =	stream.linear.gather [hbm4b:s13+s3], $0x80, $0x38;
	[tilespmem:$0x1E980] =	vst v63  }
0x53: {  	_ = 	snop  }
0x54: {  	[spmem:s2] =	stream.indirect.scatter.add.f32 [tilespmem:s20], [sflag:$0x5], $0x80, s21, s18, $0xb8;
	[tilespmem:$0x1E980] =	vst v63  }
0x55: {  	_ =	swait.ge [sflag:s16], $0x4000  }
0x56: {  	s0 =	simm.s32 $0x20;
	s13 =	smov.u32 s28;
	[sflag:s16] =	ssyncset.done $0x0  }
.LBB2_6:
0x57: {  	[sflag:s16] =	ssyncadd.s32 $0xFFFFC000;
	s1 =	sadd.s32 $0x100, s1;
	s13 =	sadd.s32 $0x100, s13  }
0x58: {  	p1 =	sne.s32 s0, $0x4A0;
	s12 =	smov.u32 s0;
	s0 =	sadd.s32 $0x20, s0  }
0x59: {  	_ =	swait.ge [sflag:s22], $0x4000  }
0x5a: {  	[sflag:s22] =	ssyncset.done $0x0  }
0x5b: {  	[sflag:s22] =	ssyncadd.s32 $0xFFFFC000  }
0x5c: {  	_ =	swait.ge [sflag:s23], $0x80  }
0x5d: {  	[sflag:s23] =	ssyncset.done $0x0  }
0x5e: {  	s9 =	sshrl.u32 s13, $0x3;
	[sflag:s23] =	ssyncadd.s32 $0xFFFFFF80  }
0x5f: {  	[tilespmem:s17], [sflag:$0x1] =	stream.indirect.gather [hbm4b:s4+s18], $0x80, s1, s18, $0xb8;
	[tilespmem:$0x1E980] =	vst v63  }
0x60: {  	s9 =	sadd.s32 s5, s9  }
0x61: {  	[tilespmem:s19], [sflag:$0x3] =	stream.linear.gather [hbm4b:s9+s3], $0x80, $0x38;
	[tilespmem:$0x1E980] =	vst v63  }
0x62: {  	_ = 	snop  }
0x63: {  	[spmem:s2] =	stream.indirect.scatter.add.f32 [tilespmem:s17], [sflag:$0x5], $0x80, s19, s18, $0xb8;
	[tilespmem:$0x1E980] =	vst v63  }
0x64: {  	_ =	swait.ge [sflag:s16], $0x4000  }
0x65: {  	[sflag:s16] =	ssyncset.done $0x0  }
0x66: {  	[sflag:s16] =	ssyncadd.s32 $0xFFFFC000  }
0x67: {  	_ =	swait.ge [sflag:s24], $0x4000  }
0x68: {  	[sflag:s24] =	ssyncset.done $0x0  }
0x69: {  	[sflag:s24] =	ssyncadd.s32 $0xFFFFC000  }
0x6a: {  	_ =	swait.ge [sflag:s25], $0x80  }
0x6b: {  	[sflag:s25] =	ssyncset.done $0x0  }
0x6c: {  	s9 =	sadd.s32 $0x80, s1;
	[sflag:s25] =	ssyncadd.s32 $0xFFFFFF80  }
0x6d: {  	[tilespmem:s20], [sflag:$0x2] =	stream.indirect.gather [hbm4b:s4+s18], $0x80, s9, s18, $0xb8;
	[tilespmem:$0x1E980] =	vst v63  }
0x6e: {  	s9 =	sadd.s32 s12, s14  }
0x6f: {  	[tilespmem:s21], [sflag:$0x4] =	stream.linear.gather [hbm4b:s9+s3], $0x80, $0x38;
	[tilespmem:$0x1E980] =	vst v63  }
.Ltmp3:
0x70: {  	_ = 	snop;
	(pc) =	sbr.rel @p1 .LBB2_6-.Ltmp3, $4  }
0x71: {  	_ = 	snop  }
0x72: {  	[spmem:s2] =	stream.indirect.scatter.add.f32 [tilespmem:s20], [sflag:$0x5], $0x80, s21, s18, $0xb8;
	[tilespmem:$0x1E980] =	vst v63  }
0x73: {  	_ =	swait.ge [sflag:s16], $0x4000  }
0x74: {  	[sflag:s16] =	ssyncset.done $0x0  }
0x75: {  	[sflag:s16] =	ssyncadd.s32 $0xFFFFC000  }
0x76: {  	_ =	swait.ge [sflag:s22], $0x4000  }
0x77: {  	[sflag:s22] =	ssyncset.done $0x0  }
0x78: {  	[sflag:s22] =	ssyncadd.s32 $0xFFFFC000  }
0x79: {  	_ =	swait.ge [sflag:s23], $0x80  }
0x7a: {  	[sflag:s23] =	ssyncset.done $0x0  }
0x7b: {  	[sflag:s23] =	ssyncadd.s32 $0xFFFFFF80  }
0x7c: {  	[spmem:s2] =	stream.indirect.scatter.add.f32 [tilespmem:s17], [sflag:$0x5], $0x80, s19, s18, $0xb8;
	[tilespmem:$0x1E980] =	vst v63  }
0x7d: {  	_ =	swait.ge [sflag:s16], $0x4000  }
0x7e: {  	[sflag:s16] =	ssyncset.done $0x0  }
0x7f: {  	[sflag:s16] =	ssyncadd.s32 $0xFFFFC000  }
0x80: {  	_ =	swait.ge [sflag:s24], $0x4000  }
0x81: {  	[sflag:s24] =	ssyncset.done $0x0  }
0x82: {  	[sflag:s24] =	ssyncadd.s32 $0xFFFFC000  }
0x83: {  	_ =	swait.ge [sflag:s25], $0x80  }
0x84: {  	[sflag:s25] =	ssyncset.done $0x0  }
0x85: {  	[sflag:s25] =	ssyncadd.s32 $0xFFFFFF80  }
0x86: {  	[spmem:s2] =	stream.indirect.scatter.add.f32 [tilespmem:s20], [sflag:$0x5], $0x80, s21, s18, $0xb8;
	[tilespmem:$0x1E980] =	vst v63  }
0x87: {  	_ =	swait.ge [sflag:s16], $0x4000  }
0x88: {  	[sflag:s16] =	ssyncset.done $0x0  }
0x89: {  	s0 =	simm.s32 $0x2700;
	[sflag:s16] =	ssyncadd.s32 $0xFFFFC000  }
0x8a: {  	[tilespmem:s29], [sflag:$0x1] =	stream.indirect.gather [hbm4b:s4+s26], $0x80, s0, s26, $0xb8;
	[tilespmem:$0x1E980] =	vst v63  }
0x8b: {  	_ = 	snop  }
0x8c: {  	[tilespmem:s30], [sflag:$0x5] =	stream.linear.gather [hbm4b:s10+s3], $0x10, $0x38;
	[tilespmem:$0x1E980] =	vst v63  }
0x8d: {  	_ =	swait.ge [sflag:s16], $0x10  }
0x8e: {  	[sflag:s16] =	ssyncset.done $0x0  }
0x8f: {  	[sflag:s16] =	ssyncadd.s32 $0xFFFFFFF0  }
0x90: {  	_ =	swait.ge [sflag:s22], $0x800  }
0x91: {  	[sflag:s22] =	ssyncset.done $0x0  }
0x92: {  	[sflag:s22] =	ssyncadd.s32 $0xFFFFF800  }
0x93: {  	[spmem:s2] =	stream.indirect.scatter.add.f32 [tilespmem:s29], [sflag:$0x5], $0x80, s30, s26, $0xb8;
	[tilespmem:$0x1E980] =	vst v63  }
0x94: {  	_ =	swait.ge [sflag:s16], $0x800  }
.Ltmp4:
0x95: {  	s13 =	stileid.u32;
	[sflag:s16] =	ssyncset.done $0x0;
	(pc) =	sbr.rel @!p0 .LBB2_9-.Ltmp4, $4  }
0x96: {  	s1 =	sshrl.u32 s6, $0x3;
	s0 =	sshll.u32 s13, $0x6;
	[sflag:s16] =	ssyncadd.s32 $0xFFFFF800  }
0x97: {  	s12 =	smov.u32 s6;
	s0 =	sor.u32 $0x1C05, s0;
	[bflag:$0x0] =	sbarrier.arrive $0xFFFF  }
0x98: {  	[hbm:s15], [sflag:s0] =	dma.local [spmem:s1], $0x500  }
0x99: {  	s13 =	sadd.s32 $0x5000, s15;
	s1 =	sadd.s32 $0xFFFFFFFF, s8;
	_ =	swait.ge [sflag:s16], $0x500  }
.LBB2_8:
0x9a: {  	[sflag:s16] =	ssyncset.done $0x0;
	s12 =	sadd.s32 $0x28000, s12;
	p0 =	sne.s32 s1, $0x1  }
.Ltmp5:
0x9b: {  	s9 =	sshrl.u32 s12, $0x3;
	[sflag:s16] =	ssyncadd.s32 $0xFFFFFB00;
	(pc) =	sbr.rel @p0 .LBB2_8-.Ltmp5, $3  }
0x9c: {  	[hbm:s13], [sflag:s0] =	dma.local [spmem:s9], $0x500  }
0x9d: {  	s1 =	sadd.s32 $0xFFFFFFFF, s1;
	_ =	sdelay $0x1  }
0x9e: {  	s13 =	sadd.s32 $0x5000, s13;
	_ =	swait.ge [sflag:s16], $0x500  }
.LBB2_9:
0x9f: {  	s31 =	sadd.s32 $0x1, s31  }
0xa0: {  	p0 =	sne.s32 s31, s11  }
.Ltmp6:
0xa1: {  	_ = 	snop;
	(pc) =	sbr.rel @p0 .LBB2_1-.Ltmp6, $3  }
0xa2: {  	_ =	sdelay $0x1  }
0xa3: {  	[sflag:s16] =	ssyncset.done $0x0  }
0xa4: {  	[sflag:s16] =	ssyncadd.s32 $0xFFFFFB00  }
0xa5: {  	_ =	sfence.sel $0x180000  }
0xa6: {  	[bflag:$0x0] =	sbarrier.arrive $0xFFFF  }
0xa7: {  	_ =	strace $0x9000004A  }
0xa8: {  	s0 =	stileid.u32;
	[bflag:$0x2] =	sbarrier.arrive $0xFFFF  }
0xa9: {  	p0 =	sne.s32 s0, $0x0;
	s0 =	rddreg [dreg:$0x2]  }
0xaa: {  	s0 =	sadd.s32 @!p0 $0x100000, s0  }
0xab: {  	[sflag:s0] =	ssyncadd.tile.s32 @!p0 $0x1;
	_ =	shalt  }
.Lfunc_end2:
_tile_overlayer_lowered:
.L_overlay_start_2:
0xac: {  	(tag) =	ssettag $0x2  }
0xad: {  	s0 =	rddreg [dreg:$0x0];
	s2 =	stileid.u32  }
0xae: {  	s1 =	rddreg [dreg:$0x1];
	p0 =	sne.s32 s2, $0x0  }
0xaf: {  	s3 =	rddreg [dreg:$0x2];
	[bflag:$0x3] =	sbarrier.arrive $0xFFFF;
	s2 =	simm.s32 @!p0 $0x1C05  }
0xb0: {  	[timem:s3], [sflag:s2] =	dma.local @!p0 [hbm:s0], s1  }
0xb1: {  	s0 =	simm.s32 @!p0 $0x5  }
0xb2: {  	_ =	swait.ge @!p0 [sflag:s0], s1  }
0xb3: {  	s1 =	ssub.s32 @!p0 $0x0, s1;
	[sflag:s0] =	ssyncset.done @!p0 $0x0  }
0xb4: {  	[sflag:s0] =	ssyncadd.s32 @!p0 s1  }
0xb5: {  	[bflag:$0x3] =	sbarrier.arrive $0xFFFF  }
0xb6: {  	_ =	shalt  }

// kernel: kernel.14.cloned.1.call-start
scs
__scs_entry_jumppad:
0x0: {  	(pc) =	sbr.rel $0x88, $3  }
0x1: {  	(tag) =	ssettag $0x0;
	lr =	simm.s32 $0x1  }
0x2: {  	[smem:$0x3F9B] =	sst lr;
	_ =	strace $0xD0000000  }
0x3: {  	_ = 	snop  }
0x4: {  	_ = 	snop  }
0x5: {  	_ = 	snop  }
0x6: {  	_ = 	snop  }
0x7: {  	_ = 	snop  }
__scs_overlays_trampoline_lowered:
0x8: {  	[smem:$0x3FAA] =	sst s0  }
0x9: {  	[smem:$0x3FAB] =	sst s1  }
0xa: {  	[smem:$0x3FAC] =	sst s2  }
0xb: {  	[smem:$0x3FAD] =	sst s3  }
0xc: {  	[smem:$0x3FAE] =	sst s4  }
0xd: {  	[smem:$0x3FAF] =	sst s5  }
0xe: {  	[smem:$0x3FB0] =	sst s6  }
0xf: {  	[smem:$0x3FB1] =	sst s7  }
0x10: {  	[smem:$0x3FB2] =	sst s8  }
0x11: {  	[smem:$0x3FB3] =	sst s9;
	s0 =	simm.s32 @!p0 $0x0  }
0x12: {  	s1 =	sld [smem:$0x3F99];
	s0 =	simm.s32 @p0 $0x1  }
0x13: {  	[smem:$0x3FB4] =	sst s0;
	s0 =	simm.s32 @!p1 $0x0  }
0x14: {  	s2 =	sld [smem:$0x3F98];
	s0 =	simm.s32 @p1 $0x1  }
0x15: {  	[smem:$0x3FB5] =	sst s0;
	s0 =	simm.s32 @!p2 $0x0  }
0x16: {  	s3 =	sld [smem:$0x3FDB];
	s0 =	simm.s32 @p2 $0x1  }
0x17: {  	s4 =	simm.s32 $0x1BF5;
	[smem:$0x3FB7] =	sst s0  }
0x18: {  	s0 =	sld [smem:$0x3F9A];
	_ =	swait.ge [sflag:s4], $0x0  }
0x19: {  	s7 =	sld [smem:$0x3F9B]  }
0x1a: {  	s8 =	sadd.s32 $0xFFFFE003, lr  }
0x1b: {  	s9 =	sadd.s32 $0xFFFFFEF7, lr;
	s5 =	simm.s32 $0xFFFFFFFF;
	p2 =	slt.u32 s8, $0xFFFFF086  }
0x1c: {  	p1 =	slt.u32 s9, $0xF7A;
	s5 =	simm.s32 @!p2 $0x0  }
0x1d: {  	s5 =	simm.s32 @p1 $0x1;
	p0 =	seq.s32 s7, s2  }
0x1e: {  	s7 =	smul.u32 @!p0 $0xF7A, s2;
	p2 =	seq.s32 @!p0 s5, $0x0  }
0x1f: {  	s9 =	smul.u32 $0xF7A, s1;
	s8 =	simm.s32 @!p0 $0x1BF5;
	p2 =	por !p2, p0  }
0x20: {  	[sflag:s8] =	ssyncset.s32 @!p0 $0xFFFFF086;
	s6 =	sadd.s32 @!p0 s3, s7;
	s7 =	simm.s32 @!p0 $0x108  }
0x21: {  	s3 =	sadd.s32 s3, s9;
	s6 =	sadd.s32 @!p0 $0x88, s6;
	s7 =	simm.s32 @p2 $0x1082  }
0x22: {  	[simem:s7], [sflag:s8] =	dma.local @!p0 [hbm:s6], $0xF7A  }
0x23: {  	s9 =	sor.u32 $0xD0000000, s2;
	s6 =	simm.s32 $0x108;
	_ =	swait.ge @!p0 [sflag:s8], $0x0  }
0x24: {  	s3 =	sadd.s32 $0x88, s3;
	s6 =	simm.s32 @!p1 $0x1082;
	[sflag:s4] =	ssyncset.s32 $0xFFFFF086  }
0x25: {  	[simem:s6], [sflag:s4] =	dma.local [hbm:s3], $0xF7A  }
0x26: {  	[smem:$0x3F9B] =	sst s1;
	(tag) =	ssettag s2;
	_ =	strace s9  }
0x27: {  	s1 =	sld [smem:$0x3FAB]  }
0x28: {  	s2 =	sld [smem:$0x3FAC]  }
0x29: {  	s4 =	sld [smem:$0x3FAE]  }
0x2a: {  	p0 =	seq.s32 s5, $0x0;
	s5 =	sld [smem:$0x3FAF]  }
0x2b: {  	s6 =	sld [smem:$0x3FB0]  }
0x2c: {  	s7 =	sld [smem:$0x3FB1]  }
0x2d: {  	s3 =	simm.s32 $0x108;
	s8 =	sld [smem:$0x3FB2]  }
0x2e: {  	s3 =	simm.s32 @!p0 $0x1082;
	s9 =	sld [smem:$0x3FB3]  }
0x2f: {  	lr =	sadd.s32 s0, s3;
	s0 =	sld [smem:$0x3FAA]  }
0x30: {  	s3 =	sld [smem:$0x3FAD]  }
0x31: {  	[smem:$0x3FB6] =	sst s10  }
0x32: {  	s10 =	sld [smem:$0x3FB4];
	_ =	sdelay $0x3  }
0x33: {  	p0 =	seq.s32 s10, $0x1;
	s10 =	sld [smem:$0x3FB6];
	_ =	sdelay $0x3  }
0x34: {  	[smem:$0x3FB6] =	sst s10  }
0x35: {  	s10 =	sld [smem:$0x3FB5];
	_ =	sdelay $0x3  }
0x36: {  	p1 =	seq.s32 s10, $0x1;
	s10 =	sld [smem:$0x3FB6];
	_ =	sdelay $0x3  }
0x37: {  	[smem:$0x3FB6] =	sst s10  }
0x38: {  	s10 =	sld [smem:$0x3FB7]  }
0x39: {  	_ = 	snop;
	(pc) =	sbr.ind lr, $3  }
0x3a: {  	_ = 	snop  }
0x3b: {  	_ = 	snop  }
0x3c: {  	p2 =	seq.s32 s10, $0x1;
	s10 =	sld [smem:$0x3FB6]  }
0x3d: {  	_ =	shalt  }
0x3e: {  	_ =	shalt  }
0x3f: {  	_ =	shalt  }
0x40: {  	_ =	shalt  }
0x41: {  	_ =	shalt  }
0x42: {  	_ =	shalt  }
0x43: {  	_ =	shalt  }
0x44: {  	_ =	shalt  }
0x45: {  	_ =	shalt  }
0x46: {  	_ =	shalt  }
0x47: {  	_ =	shalt  }
0x48: {  	_ =	shalt  }
0x49: {  	_ =	shalt  }
0x4a: {  	_ =	shalt  }
0x4b: {  	_ =	shalt  }
0x4c: {  	_ =	shalt  }
0x4d: {  	_ =	shalt  }
0x4e: {  	_ =	shalt  }
0x4f: {  	_ =	shalt  }
0x50: {  	_ =	shalt  }
0x51: {  	_ =	shalt  }
0x52: {  	_ =	shalt  }
0x53: {  	_ =	shalt  }
0x54: {  	_ =	shalt  }
0x55: {  	_ =	shalt  }
0x56: {  	_ =	shalt  }
0x57: {  	_ =	shalt  }
0x58: {  	_ =	shalt  }
0x59: {  	_ =	shalt  }
0x5a: {  	_ =	shalt  }
0x5b: {  	_ =	shalt  }
0x5c: {  	_ =	shalt  }
0x5d: {  	_ =	shalt  }
0x5e: {  	_ =	shalt  }
0x5f: {  	_ =	shalt  }
0x60: {  	_ =	shalt  }
0x61: {  	_ =	shalt  }
0x62: {  	_ =	shalt  }
0x63: {  	_ =	shalt  }
0x64: {  	_ =	shalt  }
0x65: {  	_ =	shalt  }
0x66: {  	_ =	shalt  }
0x67: {  	_ =	shalt  }
0x68: {  	_ =	shalt  }
0x69: {  	_ =	shalt  }
0x6a: {  	_ =	shalt  }
0x6b: {  	_ =	shalt  }
0x6c: {  	_ =	shalt  }
0x6d: {  	_ =	shalt  }
0x6e: {  	_ =	shalt  }
0x6f: {  	_ =	shalt  }
0x70: {  	_ =	shalt  }
0x71: {  	_ =	shalt  }
0x72: {  	_ =	shalt  }
0x73: {  	_ =	shalt  }
0x74: {  	_ =	shalt  }
0x75: {  	_ =	shalt  }
0x76: {  	_ =	shalt  }
0x77: {  	_ =	shalt  }
0x78: {  	_ =	shalt  }
0x79: {  	_ =	shalt  }
0x7a: {  	_ =	shalt  }
0x7b: {  	_ =	shalt  }
0x7c: {  	_ =	shalt  }
0x7d: {  	_ =	shalt  }
0x7e: {  	_ =	shalt  }
0x7f: {  	_ =	shalt  }
0x80: {  	_ =	shalt  }
0x81: {  	_ =	shalt  }
0x82: {  	_ =	shalt  }
0x83: {  	_ =	shalt  }
0x84: {  	_ =	shalt  }
0x85: {  	_ =	shalt  }
0x86: {  	_ =	shalt  }
0x87: {  	_ =	shalt  }
.Lfunc_end0:
.L_simem_size_0:
called_computation.2_lowered:
.L_overlay_start_0:
0x88: {  	s2 =	sld [smem:$0x3FD9]  }
0x89: {  	s3 =	sld [smem:$0x3FFE];
	_ =	sdelay $0x1  }
0x8a: {  	s1 =	srdreg.scid  }
0x8b: {  	s0 =	sand.u32 $0x1, s1  }
0x8c: {  	s16 =	sshll.u32 s0, $0xA;
	s2 =	sadd.s32 s3, s2  }
0x8d: {  	s2 =	sadd.s32 s2, s16  }
0x8e: {  	[smem:$0x3FC2] =	sst s2  }
0x8f: {  	_ = 	snop  }
0x90: {  	(tm) =	ssettm $0x1  }
0x91: {  	s17 =	sld [smem:$0x3FFB];
	_ =	sdelay $0x3  }
0x92: {  	_ =	strace s17  }
0x93: {  	s2 =	sld [smem:$0x3FFC];
	_ =	sdelay $0x3  }
0x94: {  	_ =	strace s2  }
0x95: {  	s2 =	sld [smem:$0x3FFD];
	_ =	sdelay $0x3  }
0x96: {  	_ =	strace s2  }
0x97: {  	_ =	strace $0x8FFFFFFF  }
0x98: {  	s18 =	sld [smem:$0x3FDB];
	_ =	sdelay $0x1  }
0x99: {  	s19 =	simm.s32 $_scs_section_size  }
0x9a: {  	s4 =	simm.s32 $_size__tile_overlayer_lowered;
	s5 =	simm.s32 $_tile_overlayer_lowered  }
0x9b: {  	s22 =	simm.s32 $0x1BFF;
	s21 =	sshll.u32 s5, $0x1;
	s2 =	sadd.s32 s19, s18  }
0x9c: {  	s6 =	simm.s32 $0x0;
	s20 =	sshll.u32 s4, $0x1;
	s4 =	sadd.s32 s21, s2  }
0x9d: {  	[timem:s6], [sflag:s22] =	dma.local [hbm:s4], s20  }
0x9e: {  	_ =	swait.ge [sflag:s22], s20  }
0x9f: {  	s3 =	ssub.s32 $0x0, s20;
	[sflag:s22] =	ssyncset.done $0x0  }
0xa0: {  	[sflag:s22] =	ssyncadd.s32 s3;
	_ =	sdelay $0x1  }
0xa1: {  	s23 =	simm.s32 $0x1B8B  }
0xa2: {  	_ =	swait.ge [sflag:s23], $0x1  }
0xa3: {  	[sflag:s23] =	ssyncset.done $0x0  }
0xa4: {  	s25 =	simm.s32 $0x1B8E;
	s24 =	sld [smem:$0x3FFE];
	[sflag:s23] =	ssyncadd.s32 $0xFFFFFFFF  }
0xa5: {  	s26 =	simm.s32 $execute0_lowered;
	[smem:$0x3FD2] =	sst s25  }
0xa6: {  	s4 =	sshll.u32 s26, $0x1;
	_ =	strace $0x8000004C;
	[dreg:$0x1] =	wrdreg $0xFFFFFFFF  }
0xa7: {  	s28 =	simm.s32 $_size_execute0_lowered;
	s2 =	sadd.s32 s2, s4;
	[dreg:$0x0] =	wrdreg $0x0  }
0xa8: {  	s4 =	sshll.u32 s28, $0x1;
	[dreg:$0x2] =	wrdreg s2  }
0xa9: {  	[dreg:$0x3] =	wrdreg s4  }
0xaa: {  	[dreg:$0x4] =	wrdreg $0xC0  }
0xab: {  	_ =	task [dreg:s6], $0x5FFFF  }
0xac: {  	[dreg:$0x1] =	wrdreg $0xFFFFFFFF  }
0xad: {  	[dreg:$0x0] =	wrdreg $0x60  }
0xae: {  	[dreg:$0x2] =	wrdreg s24  }
0xaf: {  	[dreg:$0x3] =	wrdreg $0xB1000  }
0xb0: {  	[dreg:$0x4] =	wrdreg $0x9  }
0xb1: {  	_ =	task.clear_ibuf [dreg:s6], $0x5FFFF;
	_ =	strace $0x9000004C  }
0xb2: {  	s29 =	simm.s32 $0x9;
	_ =	strace $0x8000004E  }
0xb3: {  	_ =	swait.ge [sflag:s29], $0x1  }
0xb4: {  	[sflag:s29] =	ssyncadd.s32 $0xFFFFFFFF  }
0xb5: {  	_ =	strace $0x9000004E  }
0xb6: {  	_ =	sfence  }
0xb7: {  	s30 =	sld [smem:$0x0];
	_ =	sdelay $0x2  }
0xb8: {  	s31 =	sshll.u32 s1, $0xD;
	s1 =	sshrl.u32 s1, $0x2  }
0xb9: {  	s3 =	sand.u32 $0x4000, s31;
	s1 =	sadd.s32 s1, s30  }
0xba: {  	s0 =	sor.u32 s3, s0;
	s1 =	sshll.u32 s1, $0x11  }
0xbb: {  	s0 =	sor.u32 s1, s0  }
0xbc: {  	s0 =	sadd.s32 $0x8F2B, s0  }
0xbd: {  	[sflag:s0] =	ssyncadd.remote.s32 $0x1  }
0xbe: {  	_ =	sfence.sel $0xFFFF  }
0xbf: {  	[dreg:$0x0] =	wrdreg $0xFFFFFFFF;
	(pc) =	sbr.abs _section_cstart, $3  }
0xc0: {  	[dreg:$0x1] =	wrdreg $0xFFFFFFFF  }
0xc1: {  	_ =	task.clear_ibuf [dreg:s6], $0x2FFFF;
	_ =	strace $0x9FFFFFFF  }
0xc2: {  	(tm) =	ssettm $0x7FFFFFFF  }
0xc3: {  	_ =	shalt  }
tec
execute0_lowered:
.L_overlay_start_1:
0x0: {  	(tag) =	ssettag $0x1  }
0x1: {  	s0 =	srdreg.scid  }
0x2: {  	s11 =	stileid.u32;
	s6 =	rddreg [dreg:$0x0]  }
0x3: {  	s2 =	rddreg [dreg:$0x1];
	s3 =	simm.s32 $0x0;
	s16 =	simm.s32 $0x5  }
0x4: {  	s17 =	simm.s32 $0x2900;
	s18 =	simm.s32 $0x80;
	s19 =	simm.s32 $0x2780  }
0x5: {  	s20 =	simm.s32 $0x6900;
	s29 =	simm.s32 $0xA900;
	s7 =	smul.u32 $0x2800, s11  }
0x6: {  	s30 =	simm.s32 $0x2880;
	s31 =	simm.s32 $0x0;
	s10 =	smul.u32 $0x4E20, s11  }
0x7: {  	s0 =	sand.u32 $0x1, s0;
	s1 =	sshll.u32 s11, $0x1;
	s24 =	smul.u32 $0xA000, s11  }
0x8: {  	[smem:$0x7FF] =	sst s3;
	s4 =	sadd.s32 $0x15E00, s6;
	s5 =	smul.u32 $0x138800, s0  }
0x9: {  	s1 =	sor.u32 s0, s1;
	s9 =	ssub.s32 $0x2, s0;
	s0 =	smul.u32 $0x2710, s0  }
0xa: {  	s23 =	ssub.s32 $0x8C, s11;
	_ =	strace $0x8000004D;
	s1 =	smul.u32 $0x2710, s1  }
0xb: {  	s21 =	sshrl.u32 s9, $0x1;
	s7 =	sadd.s32 s7, s5;
	s5 =	sadd.s32 $0x2200, s6  }
0xc: {  	s0 =	sadd.s32 s0, s10;
	s1 =	sshrl.u32 s1, $0x3;
	s7 =	sshrl.u32 s7, $0x3  }
0xd: {  	s13 =	sadd.s32 $0x180, s0;
	s28 =	sadd.s32 $0x100, s0;
	s8 =	sadd.s32 s1, s6  }
0xe: {  	s12 =	sadd.s32 s7, s6;
	s6 =	ssub.s32 s9, s21;
	s7 =	sadd.s32 s5, s1  }
0xf: {  	s1 =	sshrl.u32 s24, $0x2;
	s26 =	sshrl.u32 s13, $0x3;
	s21 =	simm.s32 $0x2800  }
0x10: {  	s24 =	simm.s32 $0x2;
	s22 =	sadd.s32 $0xC000, s8;
	s8 =	sshrl.u32 s23, $0x4  }
0x11: {  	s25 =	sadd.s32 $0x10, s7;
	s10 =	sadd.s32 $0x4E0, s7;
	s11 =	smax.u32 s6, $0x1  }
0x12: {  	s6 =	sadd.s32 s1, s2;
	s14 =	sadd.s32 s26, s5;
	s15 =	sadd.s32 $0x3D000, s12  }
0x13: {  	s23 =	simm.s32 $0x3;
	s26 =	simm.s32 $0x10;
	[dreg:$0x3] =	wrdreg s22  }
0x14: {  	v0 =	vimm.f32 $0.0e+00;
	[dreg:$0x4] =	wrdreg s25;
	s22 =	simm.s32 $0x1;
	s25 =	simm.s32 $0x4  }
.LBB2_1:
0x15: {  	s0 =	simm.s32 $0x70;
	s1 =	simm.s32 $0x3C0  }
.LBB2_2:
0x16: {  	p0 =	sne.s32 s1, $0x9FC0;
	[tilespmem:s0+$0x2900] =	vst v0  }
0x17: {  	[tilespmem:s0+$0x2890] =	vst v0  }
0x18: {  	[tilespmem:s0+$0x28A0] =	vst v0  }
.Ltmp0:
0x19: {  	[tilespmem:s0+$0x28B0] =	vst v0;
	(pc) =	sbr.rel @p0 .LBB2_2-.Ltmp0, $4  }
0x1a: {  	[tilespmem:s0+$0x28C0] =	vst v0  }
0x1b: {  	[tilespmem:s0+$0x28D0] =	vst v0  }
0x1c: {  	[tilespmem:s0+$0x28E0] =	vst v0  }
0x1d: {  	[tilespmem:s0+$0x28F0] =	vst v0;
	s0 =	sshra.s32 s1, $0x2;
	s1 =	sadd.s32 $0x200, s1  }
0x1e: {  	[tilespmem:s0+$0x2900] =	vst v0  }
0x1f: {  	[tilespmem:s0+$0x2890] =	vst v0  }
0x20: {  	[tilespmem:s0+$0x28A0] =	vst v0  }
0x21: {  	[tilespmem:s0+$0x28B0] =	vst v0  }
0x22: {  	[tilespmem:s0+$0x28C0] =	vst v0  }
0x23: {  	[tilespmem:s0+$0x28D0] =	vst v0  }
0x24: {  	[tilespmem:s0+$0x28E0] =	vst v0  }
0x25: {  	[tilespmem:s0+$0x28F0] =	vst v0;
	s13 =	rddreg [dreg:$0x3]  }
0x26: {  	[tilespmem:s3], [sflag:$0x5] =	stream.linear.gather [hbm4b:s13+s3], $0x2710, $0x38;
	[tilespmem:$0x1E980] =	vst v63  }
0x27: {  	p0 =	sne.s32 s8, $0x1;
	_ =	swait.ge [sflag:s16], $0x2710  }
.Ltmp1:
0x28: {  	[sflag:s16] =	ssyncset.done $0x0;
	(pc) =	sbr.rel @!p0 .LBB2_5-.Ltmp1, $4  }
0x29: {  	[sflag:s16] =	ssyncadd.s32 $0xFFFFD8F0  }
0x2a: {  	[spmem:s6] =	stream.linear.scatter [tilespmem:s17], [sflag:$0x5], $0x2800, $0x38;
	[tilespmem:$0x1E980] =	vst v63  }
0x2b: {  	_ =	swait.ge [sflag:s16], $0x2800  }
0x2c: {  	s0 =	sadd.s32 $0xFFFFFFFF, s8;
	s1 =	smov.u32 s6;
	[sflag:s16] =	ssyncset.done $0x0  }
.LBB2_4:
0x2d: {  	p1 =	sne.s32 s0, $0x1;
	[sflag:s16] =	ssyncadd.s32 $0xFFFFD800;
	s1 =	sadd.s32 $0x28000, s1  }
.Ltmp2:
0x2e: {  	s0 =	sadd.s32 $0xFFFFFFFF, s0;
	(pc) =	sbr.rel @p1 .LBB2_4-.Ltmp2, $4  }
0x2f: {  	_ = 	snop  }
0x30: {  	[spmem:s1] =	stream.linear.scatter [tilespmem:s17], [sflag:$0x5], $0x2800, $0x38;
	[tilespmem:$0x1E980] =	vst v63  }
0x31: {  	_ =	swait.ge [sflag:s16], $0x2800  }
0x32: {  	[sflag:s16] =	ssyncset.done $0x0  }
.LBB2_5:
0x33: {  	[sflag:s16] =	ssyncadd.s32 $0xFFFFD800  }
0x34: {  	s0 =	simm.s32 $0x0;
	[bflag:$0x0] =	sbarrier.arrive $0xFFFF  }
0x35: {  	[tilespmem:s17], [sflag:$0x1] =	stream.indirect.gather [hbm4b:s4+s18], $0x80, s0, s18, $0xb8;
	[tilespmem:$0x1E980] =	vst v63  }
0x36: {  	_ = 	snop  }
0x37: {  	[tilespmem:s19], [sflag:$0x3] =	stream.linear.gather [hbm4b:s7+s0], $0x80, $0x38;
	[tilespmem:$0x1E980] =	vst v63  }
0x38: {  	_ = 	snop  }
0x39: {  	[tilespmem:s20], [sflag:$0x2] =	stream.indirect.gather [hbm4b:s4+s18], $0x80, s18, s18, $0xb8;
	[tilespmem:$0x1E980] =	vst v63  }
0x3a: {  	s1 =	rddreg [dreg:$0x4]  }
0x3b: {  	[tilespmem:s21], [sflag:$0x4] =	stream.linear.gather [hbm4b:s1+s0], $0x80, $0x38;
	[tilespmem:$0x1E980] =	vst v63  }
0x3c: {  	_ =	swait.ge [sflag:s22], $0x4000  }
0x3d: {  	[sflag:s22] =	ssyncset.done $0x0  }
0x3e: {  	[sflag:s22] =	ssyncadd.s32 $0xFFFFC000  }
0x3f: {  	_ =	swait.ge [sflag:s23], $0x80  }
0x40: {  	[sflag:s23] =	ssyncset.done $0x0  }
0x41: {  	s9 =	sshrl.u32 s28, $0x3;
	s1 =	simm.s32 $0x100;
	[sflag:s23] =	ssyncadd.s32 $0xFFFFFF80  }
0x42: {  	[tilespmem:s17], [sflag:$0x1] =	stream.indirect.gather [hbm4b:s4+s18], $0x80, s1, s18, $0xb8;
	[tilespmem:$0x1E980] =	vst v63  }
0x43: {  	s0 =	sadd.s32 s5, s9  }
0x44: {  	[tilespmem:s19], [sflag:$0x3] =	stream.linear.gather [hbm4b:s0+s3], $0x80, $0x38;
	[tilespmem:$0x1E980] =	vst v63  }
0x45: {  	_ = 	snop  }
0x46: {  	[spmem:s2] =	stream.indirect.scatter.add.f32 [tilespmem:s17], [sflag:$0x5], $0x80, s19, s18, $0xb8;
	[tilespmem:$0x1E980] =	vst v63  }
0x47: {  	_ =	swait.ge [sflag:s16], $0x4000  }
0x48: {  	[sflag:s16] =	ssyncset.done $0x0  }
0x49: {  	[sflag:s16] =	ssyncadd.s32 $0xFFFFC000  }
0x4a: {  	_ =	swait.ge [sflag:s24], $0x4000  }
0x4b: {  	[sflag:s24] =	ssyncset.done $0x0  }
0x4c: {  	[sflag:s24] =	ssyncadd.s32 $0xFFFFC000  }
0x4d: {  	_ =	swait.ge [sflag:s25], $0x80  }
0x4e: {  	[sflag:s25] =	ssyncset.done $0x0  }
0x4f: {  	s12 =	simm.s32 $0x180;
	[sflag:s25] =	ssyncadd.s32 $0xFFFFFF80  }
0x50: {  	[tilespmem:s20], [sflag:$0x2] =	stream.indirect.gather [hbm4b:s4+s18], $0x80, s12, s18, $0xb8;
	[tilespmem:$0x1E980] =	vst v63  }
0x51: {  	s13 =	sadd.s32 $0x0, s14  }
0x52: {  	[tilespmem:s21], [sflag:$0x4] =	stream.linear.gather [hbm4b:s13+s3], $0x80, $0x38;
	[tilespmem:$0x1E980] =	vst v63  }
0x53: {  	_ = 	snop  }
0x54: {  	[spmem:s2] =	stream.indirect.scatter.add.f32 [tilespmem:s20], [sflag:$0x5], $0x80, s21, s18, $0xb8;
	[tilespmem:$0x1E980] =	vst v63  }
0x55: {  	_ =	swait.ge [sflag:s16], $0x4000  }
0x56: {  	s0 =	simm.s32 $0x20;
	s13 =	smov.u32 s28;
	[sflag:s16] =	ssyncset.done $0x0  }
.LBB2_6:
0x57: {  	[sflag:s16] =	ssyncadd.s32 $0xFFFFC000;
	s1 =	sadd.s32 $0x100, s1;
	s13 =	sadd.s32 $0x100, s13  }
0x58: {  	p1 =	sne.s32 s0, $0x4A0;
	s12 =	smov.u32 s0;
	s0 =	sadd.s32 $0x20, s0  }
0x59: {  	_ =	swait.ge [sflag:s22], $0x4000  }
0x5a: {  	[sflag:s22] =	ssyncset.done $0x0  }
0x5b: {  	[sflag:s22] =	ssyncadd.s32 $0xFFFFC000  }
0x5c: {  	_ =	swait.ge [sflag:s23], $0x80  }
0x5d: {  	[sflag:s23] =	ssyncset.done $0x0  }
0x5e: {  	s9 =	sshrl.u32 s13, $0x3;
	[sflag:s23] =	ssyncadd.s32 $0xFFFFFF80  }
0x5f: {  	[tilespmem:s17], [sflag:$0x1] =	stream.indirect.gather [hbm4b:s4+s18], $0x80, s1, s18, $0xb8;
	[tilespmem:$0x1E980] =	vst v63  }
0x60: {  	s9 =	sadd.s32 s5, s9  }
0x61: {  	[tilespmem:s19], [sflag:$0x3] =	stream.linear.gather [hbm4b:s9+s3], $0x80, $0x38;
	[tilespmem:$0x1E980] =	vst v63  }
0x62: {  	_ = 	snop  }
0x63: {  	[spmem:s2] =	stream.indirect.scatter.add.f32 [tilespmem:s17], [sflag:$0x5], $0x80, s19, s18, $0xb8;
	[tilespmem:$0x1E980] =	vst v63  }
0x64: {  	_ =	swait.ge [sflag:s16], $0x4000  }
0x65: {  	[sflag:s16] =	ssyncset.done $0x0  }
0x66: {  	[sflag:s16] =	ssyncadd.s32 $0xFFFFC000  }
0x67: {  	_ =	swait.ge [sflag:s24], $0x4000  }
0x68: {  	[sflag:s24] =	ssyncset.done $0x0  }
0x69: {  	[sflag:s24] =	ssyncadd.s32 $0xFFFFC000  }
0x6a: {  	_ =	swait.ge [sflag:s25], $0x80  }
0x6b: {  	[sflag:s25] =	ssyncset.done $0x0  }
0x6c: {  	s9 =	sadd.s32 $0x80, s1;
	[sflag:s25] =	ssyncadd.s32 $0xFFFFFF80  }
0x6d: {  	[tilespmem:s20], [sflag:$0x2] =	stream.indirect.gather [hbm4b:s4+s18], $0x80, s9, s18, $0xb8;
	[tilespmem:$0x1E980] =	vst v63  }
0x6e: {  	s9 =	sadd.s32 s12, s14  }
0x6f: {  	[tilespmem:s21], [sflag:$0x4] =	stream.linear.gather [hbm4b:s9+s3], $0x80, $0x38;
	[tilespmem:$0x1E980] =	vst v63  }
.Ltmp3:
0x70: {  	_ = 	snop;
	(pc) =	sbr.rel @p1 .LBB2_6-.Ltmp3, $4  }
0x71: {  	_ = 	snop  }
0x72: {  	[spmem:s2] =	stream.indirect.scatter.add.f32 [tilespmem:s20], [sflag:$0x5], $0x80, s21, s18, $0xb8;
	[tilespmem:$0x1E980] =	vst v63  }
0x73: {  	_ =	swait.ge [sflag:s16], $0x4000  }
0x74: {  	[sflag:s16] =	ssyncset.done $0x0  }
0x75: {  	[sflag:s16] =	ssyncadd.s32 $0xFFFFC000  }
0x76: {  	_ =	swait.ge [sflag:s22], $0x4000  }
0x77: {  	[sflag:s22] =	ssyncset.done $0x0  }
0x78: {  	[sflag:s22] =	ssyncadd.s32 $0xFFFFC000  }
0x79: {  	_ =	swait.ge [sflag:s23], $0x80  }
0x7a: {  	[sflag:s23] =	ssyncset.done $0x0  }
0x7b: {  	[sflag:s23] =	ssyncadd.s32 $0xFFFFFF80  }
0x7c: {  	[spmem:s2] =	stream.indirect.scatter.add.f32 [tilespmem:s17], [sflag:$0x5], $0x80, s19, s18, $0xb8;
	[tilespmem:$0x1E980] =	vst v63  }
0x7d: {  	_ =	swait.ge [sflag:s16], $0x4000  }
0x7e: {  	[sflag:s16] =	ssyncset.done $0x0  }
0x7f: {  	[sflag:s16] =	ssyncadd.s32 $0xFFFFC000  }
0x80: {  	_ =	swait.ge [sflag:s24], $0x4000  }
0x81: {  	[sflag:s24] =	ssyncset.done $0x0  }
0x82: {  	[sflag:s24] =	ssyncadd.s32 $0xFFFFC000  }
0x83: {  	_ =	swait.ge [sflag:s25], $0x80  }
0x84: {  	[sflag:s25] =	ssyncset.done $0x0  }
0x85: {  	[sflag:s25] =	ssyncadd.s32 $0xFFFFFF80  }
0x86: {  	[spmem:s2] =	stream.indirect.scatter.add.f32 [tilespmem:s20], [sflag:$0x5], $0x80, s21, s18, $0xb8;
	[tilespmem:$0x1E980] =	vst v63  }
0x87: {  	_ =	swait.ge [sflag:s16], $0x4000  }
0x88: {  	[sflag:s16] =	ssyncset.done $0x0  }
0x89: {  	s0 =	simm.s32 $0x2700;
	[sflag:s16] =	ssyncadd.s32 $0xFFFFC000  }
0x8a: {  	[tilespmem:s29], [sflag:$0x1] =	stream.indirect.gather [hbm4b:s4+s26], $0x80, s0, s26, $0xb8;
	[tilespmem:$0x1E980] =	vst v63  }
0x8b: {  	_ = 	snop  }
0x8c: {  	[tilespmem:s30], [sflag:$0x5] =	stream.linear.gather [hbm4b:s10+s3], $0x10, $0x38;
	[tilespmem:$0x1E980] =	vst v63  }
0x8d: {  	_ =	swait.ge [sflag:s16], $0x10  }
0x8e: {  	[sflag:s16] =	ssyncset.done $0x0  }
0x8f: {  	[sflag:s16] =	ssyncadd.s32 $0xFFFFFFF0  }
0x90: {  	_ =	swait.ge [sflag:s22], $0x800  }
0x91: {  	[sflag:s22] =	ssyncset.done $0x0  }
0x92: {  	[sflag:s22] =	ssyncadd.s32 $0xFFFFF800  }
0x93: {  	[spmem:s2] =	stream.indirect.scatter.add.f32 [tilespmem:s29], [sflag:$0x5], $0x80, s30, s26, $0xb8;
	[tilespmem:$0x1E980] =	vst v63  }
0x94: {  	_ =	swait.ge [sflag:s16], $0x800  }
.Ltmp4:
0x95: {  	s13 =	stileid.u32;
	[sflag:s16] =	ssyncset.done $0x0;
	(pc) =	sbr.rel @!p0 .LBB2_9-.Ltmp4, $4  }
0x96: {  	s1 =	sshrl.u32 s6, $0x3;
	s0 =	sshll.u32 s13, $0x6;
	[sflag:s16] =	ssyncadd.s32 $0xFFFFF800  }
0x97: {  	s12 =	smov.u32 s6;
	s0 =	sor.u32 $0x1C05, s0;
	[bflag:$0x0] =	sbarrier.arrive $0xFFFF  }
0x98: {  	[hbm:s15], [sflag:s0] =	dma.local [spmem:s1], $0x500  }
0x99: {  	s13 =	sadd.s32 $0x5000, s15;
	s1 =	sadd.s32 $0xFFFFFFFF, s8;
	_ =	swait.ge [sflag:s16], $0x500  }
.LBB2_8:
0x9a: {  	[sflag:s16] =	ssyncset.done $0x0;
	s12 =	sadd.s32 $0x28000, s12;
	p0 =	sne.s32 s1, $0x1  }
.Ltmp5:
0x9b: {  	s9 =	sshrl.u32 s12, $0x3;
	[sflag:s16] =	ssyncadd.s32 $0xFFFFFB00;
	(pc) =	sbr.rel @p0 .LBB2_8-.Ltmp5, $3  }
0x9c: {  	[hbm:s13], [sflag:s0] =	dma.local [spmem:s9], $0x500  }
0x9d: {  	s1 =	sadd.s32 $0xFFFFFFFF, s1;
	_ =	sdelay $0x1  }
0x9e: {  	s13 =	sadd.s32 $0x5000, s13;
	_ =	swait.ge [sflag:s16], $0x500  }
.LBB2_9:
0x9f: {  	s31 =	sadd.s32 $0x1, s31  }
0xa0: {  	p0 =	sne.s32 s31, s11  }
.Ltmp6:
0xa1: {  	_ = 	snop;
	(pc) =	sbr.rel @p0 .LBB2_1-.Ltmp6, $3  }
0xa2: {  	_ =	sdelay $0x1  }
0xa3: {  	[sflag:s16] =	ssyncset.done $0x0  }
0xa4: {  	[sflag:s16] =	ssyncadd.s32 $0xFFFFFB00  }
0xa5: {  	_ =	sfence.sel $0x180000  }
0xa6: {  	[bflag:$0x0] =	sbarrier.arrive $0xFFFF  }
0xa7: {  	_ =	strace $0x9000004D  }
0xa8: {  	s0 =	stileid.u32;
	[bflag:$0x2] =	sbarrier.arrive $0xFFFF  }
0xa9: {  	p0 =	sne.s32 s0, $0x0;
	s0 =	rddreg [dreg:$0x2]  }
0xaa: {  	s0 =	sadd.s32 @!p0 $0x100000, s0  }
0xab: {  	[sflag:s0] =	ssyncadd.tile.s32 @!p0 $0x1;
	_ =	shalt  }
.Lfunc_end2:
_tile_overlayer_lowered:
.L_overlay_start_2:
0xac: {  	(tag) =	ssettag $0x2  }
0xad: {  	s0 =	rddreg [dreg:$0x0];
	s2 =	stileid.u32  }
0xae: {  	s1 =	rddreg [dreg:$0x1];
	p0 =	sne.s32 s2, $0x0  }
0xaf: {  	s3 =	rddreg [dreg:$0x2];
	[bflag:$0x3] =	sbarrier.arrive $0xFFFF;
	s2 =	simm.s32 @!p0 $0x1C05  }
0xb0: {  	[timem:s3], [sflag:s2] =	dma.local @!p0 [hbm:s0], s1  }
0xb1: {  	s0 =	simm.s32 @!p0 $0x5  }
0xb2: {  	_ =	swait.ge @!p0 [sflag:s0], s1  }
0xb3: {  	s1 =	ssub.s32 @!p0 $0x0, s1;
	[sflag:s0] =	ssyncset.done @!p0 $0x0  }
0xb4: {  	[sflag:s0] =	ssyncadd.s32 @!p0 s1  }
0xb5: {  	[bflag:$0x3] =	sbarrier.arrive $0xFFFF  }
0xb6: {  	_ =	shalt  }

// kernel: kernel.8.cloned.1.call-start
scs
__scs_entry_jumppad:
0x0: {  	(pc) =	sbr.rel $0x88, $3  }
0x1: {  	(tag) =	ssettag $0x0;
	lr =	simm.s32 $0x1  }
0x2: {  	[smem:$0x3F9B] =	sst lr;
	_ =	strace $0xD0000000  }
0x3: {  	_ = 	snop  }
0x4: {  	_ = 	snop  }
0x5: {  	_ = 	snop  }
0x6: {  	_ = 	snop  }
0x7: {  	_ = 	snop  }
__scs_overlays_trampoline_lowered:
0x8: {  	[smem:$0x3FAA] =	sst s0  }
0x9: {  	[smem:$0x3FAB] =	sst s1  }
0xa: {  	[smem:$0x3FAC] =	sst s2  }
0xb: {  	[smem:$0x3FAD] =	sst s3  }
0xc: {  	[smem:$0x3FAE] =	sst s4  }
0xd: {  	[smem:$0x3FAF] =	sst s5  }
0xe: {  	[smem:$0x3FB0] =	sst s6  }
0xf: {  	[smem:$0x3FB1] =	sst s7  }
0x10: {  	[smem:$0x3FB2] =	sst s8  }
0x11: {  	[smem:$0x3FB3] =	sst s9;
	s0 =	simm.s32 @!p0 $0x0  }
0x12: {  	s1 =	sld [smem:$0x3F99];
	s0 =	simm.s32 @p0 $0x1  }
0x13: {  	[smem:$0x3FB4] =	sst s0;
	s0 =	simm.s32 @!p1 $0x0  }
0x14: {  	s2 =	sld [smem:$0x3F98];
	s0 =	simm.s32 @p1 $0x1  }
0x15: {  	[smem:$0x3FB5] =	sst s0;
	s0 =	simm.s32 @!p2 $0x0  }
0x16: {  	s3 =	sld [smem:$0x3FDB];
	s0 =	simm.s32 @p2 $0x1  }
0x17: {  	s4 =	simm.s32 $0x1BF5;
	[smem:$0x3FB7] =	sst s0  }
0x18: {  	s0 =	sld [smem:$0x3F9A];
	_ =	swait.ge [sflag:s4], $0x0  }
0x19: {  	s7 =	sld [smem:$0x3F9B]  }
0x1a: {  	s8 =	sadd.s32 $0xFFFFE003, lr  }
0x1b: {  	s9 =	sadd.s32 $0xFFFFFEF7, lr;
	s5 =	simm.s32 $0xFFFFFFFF;
	p2 =	slt.u32 s8, $0xFFFFF086  }
0x1c: {  	p1 =	slt.u32 s9, $0xF7A;
	s5 =	simm.s32 @!p2 $0x0  }
0x1d: {  	s5 =	simm.s32 @p1 $0x1;
	p0 =	seq.s32 s7, s2  }
0x1e: {  	s7 =	smul.u32 @!p0 $0xF7A, s2;
	p2 =	seq.s32 @!p0 s5, $0x0  }
0x1f: {  	s9 =	smul.u32 $0xF7A, s1;
	s8 =	simm.s32 @!p0 $0x1BF5;
	p2 =	por !p2, p0  }
0x20: {  	[sflag:s8] =	ssyncset.s32 @!p0 $0xFFFFF086;
	s6 =	sadd.s32 @!p0 s3, s7;
	s7 =	simm.s32 @!p0 $0x108  }
0x21: {  	s3 =	sadd.s32 s3, s9;
	s6 =	sadd.s32 @!p0 $0x88, s6;
	s7 =	simm.s32 @p2 $0x1082  }
0x22: {  	[simem:s7], [sflag:s8] =	dma.local @!p0 [hbm:s6], $0xF7A  }
0x23: {  	s9 =	sor.u32 $0xD0000000, s2;
	s6 =	simm.s32 $0x108;
	_ =	swait.ge @!p0 [sflag:s8], $0x0  }
0x24: {  	s3 =	sadd.s32 $0x88, s3;
	s6 =	simm.s32 @!p1 $0x1082;
	[sflag:s4] =	ssyncset.s32 $0xFFFFF086  }
0x25: {  	[simem:s6], [sflag:s4] =	dma.local [hbm:s3], $0xF7A  }
0x26: {  	[smem:$0x3F9B] =	sst s1;
	(tag) =	ssettag s2;
	_ =	strace s9  }
0x27: {  	s1 =	sld [smem:$0x3FAB]  }
0x28: {  	s2 =	sld [smem:$0x3FAC]  }
0x29: {  	s4 =	sld [smem:$0x3FAE]  }
0x2a: {  	p0 =	seq.s32 s5, $0x0;
	s5 =	sld [smem:$0x3FAF]  }
0x2b: {  	s6 =	sld [smem:$0x3FB0]  }
0x2c: {  	s7 =	sld [smem:$0x3FB1]  }
0x2d: {  	s3 =	simm.s32 $0x108;
	s8 =	sld [smem:$0x3FB2]  }
0x2e: {  	s3 =	simm.s32 @!p0 $0x1082;
	s9 =	sld [smem:$0x3FB3]  }
0x2f: {  	lr =	sadd.s32 s0, s3;
	s0 =	sld [smem:$0x3FAA]  }
0x30: {  	s3 =	sld [smem:$0x3FAD]  }
0x31: {  	[smem:$0x3FB6] =	sst s10  }
0x32: {  	s10 =	sld [smem:$0x3FB4];
	_ =	sdelay $0x3  }
0x33: {  	p0 =	seq.s32 s10, $0x1;
	s10 =	sld [smem:$0x3FB6];
	_ =	sdelay $0x3  }
0x34: {  	[smem:$0x3FB6] =	sst s10  }
0x35: {  	s10 =	sld [smem:$0x3FB5];
	_ =	sdelay $0x3  }
0x36: {  	p1 =	seq.s32 s10, $0x1;
	s10 =	sld [smem:$0x3FB6];
	_ =	sdelay $0x3  }
0x37: {  	[smem:$0x3FB6] =	sst s10  }
0x38: {  	s10 =	sld [smem:$0x3FB7]  }
0x39: {  	_ = 	snop;
	(pc) =	sbr.ind lr, $3  }
0x3a: {  	_ = 	snop  }
0x3b: {  	_ = 	snop  }
0x3c: {  	p2 =	seq.s32 s10, $0x1;
	s10 =	sld [smem:$0x3FB6]  }
0x3d: {  	_ =	shalt  }
0x3e: {  	_ =	shalt  }
0x3f: {  	_ =	shalt  }
0x40: {  	_ =	shalt  }
0x41: {  	_ =	shalt  }
0x42: {  	_ =	shalt  }
0x43: {  	_ =	shalt  }
0x44: {  	_ =	shalt  }
0x45: {  	_ =	shalt  }
0x46: {  	_ =	shalt  }
0x47: {  	_ =	shalt  }
0x48: {  	_ =	shalt  }
0x49: {  	_ =	shalt  }
0x4a: {  	_ =	shalt  }
0x4b: {  	_ =	shalt  }
0x4c: {  	_ =	shalt  }
0x4d: {  	_ =	shalt  }
0x4e: {  	_ =	shalt  }
0x4f: {  	_ =	shalt  }
0x50: {  	_ =	shalt  }
0x51: {  	_ =	shalt  }
0x52: {  	_ =	shalt  }
0x53: {  	_ =	shalt  }
0x54: {  	_ =	shalt  }
0x55: {  	_ =	shalt  }
0x56: {  	_ =	shalt  }
0x57: {  	_ =	shalt  }
0x58: {  	_ =	shalt  }
0x59: {  	_ =	shalt  }
0x5a: {  	_ =	shalt  }
0x5b: {  	_ =	shalt  }
0x5c: {  	_ =	shalt  }
0x5d: {  	_ =	shalt  }
0x5e: {  	_ =	shalt  }
0x5f: {  	_ =	shalt  }
0x60: {  	_ =	shalt  }
0x61: {  	_ =	shalt  }
0x62: {  	_ =	shalt  }
0x63: {  	_ =	shalt  }
0x64: {  	_ =	shalt  }
0x65: {  	_ =	shalt  }
0x66: {  	_ =	shalt  }
0x67: {  	_ =	shalt  }
0x68: {  	_ =	shalt  }
0x69: {  	_ =	shalt  }
0x6a: {  	_ =	shalt  }
0x6b: {  	_ =	shalt  }
0x6c: {  	_ =	shalt  }
0x6d: {  	_ =	shalt  }
0x6e: {  	_ =	shalt  }
0x6f: {  	_ =	shalt  }
0x70: {  	_ =	shalt  }
0x71: {  	_ =	shalt  }
0x72: {  	_ =	shalt  }
0x73: {  	_ =	shalt  }
0x74: {  	_ =	shalt  }
0x75: {  	_ =	shalt  }
0x76: {  	_ =	shalt  }
0x77: {  	_ =	shalt  }
0x78: {  	_ =	shalt  }
0x79: {  	_ =	shalt  }
0x7a: {  	_ =	shalt  }
0x7b: {  	_ =	shalt  }
0x7c: {  	_ =	shalt  }
0x7d: {  	_ =	shalt  }
0x7e: {  	_ =	shalt  }
0x7f: {  	_ =	shalt  }
0x80: {  	_ =	shalt  }
0x81: {  	_ =	shalt  }
0x82: {  	_ =	shalt  }
0x83: {  	_ =	shalt  }
0x84: {  	_ =	shalt  }
0x85: {  	_ =	shalt  }
0x86: {  	_ =	shalt  }
0x87: {  	_ =	shalt  }
.Lfunc_end0:
.L_simem_size_0:
called_computation_lowered:
.L_overlay_start_0:
0x88: {  	s2 =	sld [smem:$0x3FD9]  }
0x89: {  	s3 =	sld [smem:$0x3FFE];
	_ =	sdelay $0x1  }
0x8a: {  	s1 =	srdreg.scid  }
0x8b: {  	s0 =	sand.u32 $0x1, s1  }
0x8c: {  	s17 =	sshll.u32 s0, $0xA;
	s2 =	sadd.s32 s3, s2  }
0x8d: {  	s2 =	sadd.s32 s2, s17  }
0x8e: {  	[smem:$0x3FC2] =	sst s2  }
0x8f: {  	_ = 	snop  }
0x90: {  	s2 =	sld [smem:$0x3FC9];
	(tm) =	ssettm $0x1  }
0x91: {  	s18 =	sld [smem:$0x3FFB];
	_ =	sdelay $0x3  }
0x92: {  	_ =	strace s18  }
0x93: {  	s3 =	sld [smem:$0x3FFC];
	_ =	sdelay $0x3  }
0x94: {  	_ =	strace s3  }
0x95: {  	s3 =	sld [smem:$0x3FFD];
	_ =	sdelay $0x3  }
0x96: {  	_ =	strace s3  }
0x97: {  	_ =	strace $0x8FFFFFFF  }
0x98: {  	s19 =	sld [smem:$0x3FDB];
	_ =	sdelay $0x1  }
0x99: {  	s4 =	simm.s32 $_scs_section_size  }
0x9a: {  	s5 =	simm.s32 $_size__tile_overlayer_lowered;
	s6 =	simm.s32 $_tile_overlayer_lowered  }
0x9b: {  	s22 =	simm.s32 $0x1BFF;
	s21 =	sshll.u32 s6, $0x1;
	s3 =	sadd.s32 s4, s19  }
0x9c: {  	s7 =	simm.s32 $0x0;
	s20 =	sshll.u32 s5, $0x1;
	s5 =	sadd.s32 s21, s3  }
0x9d: {  	[timem:s7], [sflag:s22] =	dma.local [hbm:s5], s20  }
0x9e: {  	_ =	swait.ge [sflag:s22], s20  }
0x9f: {  	s4 =	ssub.s32 $0x0, s20;
	[sflag:s22] =	ssyncset.done $0x0  }
0xa0: {  	[sflag:s22] =	ssyncadd.s32 s4;
	_ =	sdelay $0x1  }
0xa1: {  	s23 =	simm.s32 $0x1B8B  }
0xa2: {  	_ =	swait.ge [sflag:s23], $0x1  }
0xa3: {  	[sflag:s23] =	ssyncset.done $0x0  }
0xa4: {  	s25 =	simm.s32 $0x1B8E;
	s24 =	sld [smem:$0x3FFE];
	[sflag:s23] =	ssyncadd.s32 $0xFFFFFFFF  }
0xa5: {  	s26 =	simm.s32 $execute0_lowered;
	[smem:$0x3FD2] =	sst s25  }
0xa6: {  	s5 =	sshll.u32 s26, $0x1;
	_ =	strace $0x80000046;
	[dreg:$0x1] =	wrdreg $0xFFFFFFFF  }
0xa7: {  	s28 =	simm.s32 $_size_execute0_lowered;
	s3 =	sadd.s32 s3, s5;
	[dreg:$0x0] =	wrdreg $0x0  }
0xa8: {  	s5 =	sshll.u32 s28, $0x1;
	[dreg:$0x2] =	wrdreg s3  }
0xa9: {  	[dreg:$0x3] =	wrdreg s5  }
0xaa: {  	[dreg:$0x4] =	wrdreg $0xC0  }
0xab: {  	_ =	task [dreg:s7], $0x5FFFF  }
0xac: {  	[dreg:$0x1] =	wrdreg $0xFFFFFFFF  }
0xad: {  	[dreg:$0x0] =	wrdreg $0x60  }
0xae: {  	[dreg:$0x2] =	wrdreg s2  }
0xaf: {  	[dreg:$0x3] =	wrdreg s24  }
0xb0: {  	[dreg:$0x4] =	wrdreg $0xB1000  }
0xb1: {  	[dreg:$0x5] =	wrdreg $0x9  }
0xb2: {  	_ =	task.clear_ibuf [dreg:s7], $0x6FFFF;
	_ =	strace $0x90000046  }
0xb3: {  	s29 =	simm.s32 $0x9;
	_ =	strace $0x80000048  }
0xb4: {  	_ =	swait.ge [sflag:s29], $0x1  }
0xb5: {  	[sflag:s29] =	ssyncadd.s32 $0xFFFFFFFF  }
0xb6: {  	_ =	strace $0x90000048  }
0xb7: {  	_ =	sfence  }
0xb8: {  	s30 =	sld [smem:$0x0];
	_ =	sdelay $0x2  }
0xb9: {  	s31 =	sshll.u32 s1, $0xD;
	s1 =	sshrl.u32 s1, $0x2  }
0xba: {  	s3 =	sand.u32 $0x4000, s31;
	s1 =	sadd.s32 s1, s30  }
0xbb: {  	s0 =	sor.u32 s3, s0;
	s1 =	sshll.u32 s1, $0x11  }
0xbc: {  	s0 =	sor.u32 s1, s0  }
0xbd: {  	s0 =	sadd.s32 $0x8F2B, s0  }
0xbe: {  	[sflag:s0] =	ssyncadd.remote.s32 $0x1  }
0xbf: {  	_ =	sfence.sel $0xFFFF  }
0xc0: {  	[dreg:$0x0] =	wrdreg $0xFFFFFFFF;
	(pc) =	sbr.abs _section_cstart, $3  }
0xc1: {  	[dreg:$0x1] =	wrdreg $0xFFFFFFFF  }
0xc2: {  	_ =	task.clear_ibuf [dreg:s7], $0x2FFFF;
	_ =	strace $0x9FFFFFFF  }
0xc3: {  	(tm) =	ssettm $0x7FFFFFFF  }
tec
execute0_lowered:
.L_overlay_start_1:
0x0: {  	(tag) =	ssettag $0x1  }
0x1: {  	s2 =	rddreg [dreg:$0x0]  }
0x2: {  	s0 =	srdreg.scid;
	s6 =	rddreg [dreg:$0x1]  }
0x3: {  	s11 =	stileid.u32;
	s3 =	rddreg [dreg:$0x2];
	s4 =	simm.s32 $0x0  }
0x4: {  	s16 =	simm.s32 $0x5;
	s17 =	simm.s32 $0x2900;
	s18 =	simm.s32 $0x80  }
0x5: {  	s19 =	simm.s32 $0x2780;
	s20 =	simm.s32 $0x6900;
	s7 =	smul.u32 $0x2800, s11  }
0x6: {  	s29 =	simm.s32 $0xA900;
	s30 =	simm.s32 $0x2880;
	s10 =	smul.u32 $0x4E20, s11  }
0x7: {  	s31 =	simm.s32 $0x0;
	s0 =	sand.u32 $0x1, s0;
	s24 =	smul.u32 $0xA000, s11  }
0x8: {  	s1 =	sshll.u32 s11, $0x1;
	[smem:$0x7FF] =	sst s4;
	s5 =	smul.u32 $0x138800, s0  }
0x9: {  	s1 =	sor.u32 s0, s1;
	s9 =	ssub.s32 $0x2, s0;
	s0 =	smul.u32 $0x2710, s0  }
0xa: {  	s23 =	ssub.s32 $0x8C, s11;
	_ =	strace $0x80000047;
	s1 =	smul.u32 $0x2710, s1  }
0xb: {  	s21 =	sshrl.u32 s9, $0x1;
	s7 =	sadd.s32 s7, s5;
	s5 =	sadd.s32 $0x2200, s6  }
0xc: {  	s0 =	sadd.s32 s0, s10;
	s1 =	sshrl.u32 s1, $0x3;
	s7 =	sshrl.u32 s7, $0x3  }
0xd: {  	s13 =	sadd.s32 $0x180, s0;
	s28 =	sadd.s32 $0x100, s0;
	s8 =	sadd.s32 s1, s6  }
0xe: {  	s12 =	sadd.s32 s7, s6;
	s6 =	ssub.s32 s9, s21;
	s7 =	sadd.s32 s5, s1  }
0xf: {  	s1 =	sshrl.u32 s24, $0x2;
	s26 =	sshrl.u32 s13, $0x3;
	s21 =	simm.s32 $0x2800  }
0x10: {  	s24 =	simm.s32 $0x2;
	s22 =	sadd.s32 $0xC000, s8;
	s8 =	sshrl.u32 s23, $0x4  }
0x11: {  	s25 =	sadd.s32 $0x10, s7;
	s10 =	sadd.s32 $0x4E0, s7;
	s11 =	smax.u32 s6, $0x1  }
0x12: {  	s6 =	sadd.s32 s1, s3;
	s14 =	sadd.s32 s26, s5;
	s15 =	sadd.s32 $0x15E00, s12  }
0x13: {  	s23 =	simm.s32 $0x3;
	s26 =	simm.s32 $0x10;
	[dreg:$0x4] =	wrdreg s22  }
0x14: {  	v0 =	vimm.f32 $0.0e+00;
	[dreg:$0x5] =	wrdreg s25;
	s22 =	simm.s32 $0x1;
	s25 =	simm.s32 $0x4  }
.LBB2_1:
0x15: {  	s0 =	simm.s32 $0x70;
	s1 =	simm.s32 $0x3C0  }
.LBB2_2:
0x16: {  	p0 =	sne.s32 s1, $0x9FC0;
	[tilespmem:s0+$0x2900] =	vst v0  }
0x17: {  	[tilespmem:s0+$0x2890] =	vst v0  }
0x18: {  	[tilespmem:s0+$0x28A0] =	vst v0  }
.Ltmp0:
0x19: {  	[tilespmem:s0+$0x28B0] =	vst v0;
	(pc) =	sbr.rel @p0 .LBB2_2-.Ltmp0, $4  }
0x1a: {  	[tilespmem:s0+$0x28C0] =	vst v0  }
0x1b: {  	[tilespmem:s0+$0x28D0] =	vst v0  }
0x1c: {  	[tilespmem:s0+$0x28E0] =	vst v0  }
0x1d: {  	[tilespmem:s0+$0x28F0] =	vst v0;
	s0 =	sshra.s32 s1, $0x2;
	s1 =	sadd.s32 $0x200, s1  }
0x1e: {  	[tilespmem:s0+$0x2900] =	vst v0  }
0x1f: {  	[tilespmem:s0+$0x2890] =	vst v0  }
0x20: {  	[tilespmem:s0+$0x28A0] =	vst v0  }
0x21: {  	[tilespmem:s0+$0x28B0] =	vst v0  }
0x22: {  	[tilespmem:s0+$0x28C0] =	vst v0  }
0x23: {  	[tilespmem:s0+$0x28D0] =	vst v0  }
0x24: {  	[tilespmem:s0+$0x28E0] =	vst v0  }
0x25: {  	[tilespmem:s0+$0x28F0] =	vst v0;
	s13 =	rddreg [dreg:$0x4]  }
0x26: {  	[tilespmem:s4], [sflag:$0x5] =	stream.linear.gather [hbm4b:s13+s4], $0x2710, $0x38;
	[tilespmem:$0x1E980] =	vst v63  }
0x27: {  	p0 =	sne.s32 s8, $0x1;
	_ =	swait.ge [sflag:s16], $0x2710  }
.Ltmp1:
0x28: {  	[sflag:s16] =	ssyncset.done $0x0;
	(pc) =	sbr.rel @!p0 .LBB2_5-.Ltmp1, $4  }
0x29: {  	[sflag:s16] =	ssyncadd.s32 $0xFFFFD8F0  }
0x2a: {  	[spmem:s6] =	stream.linear.scatter [tilespmem:s17], [sflag:$0x5], $0x2800, $0x38;
	[tilespmem:$0x1E980] =	vst v63  }
0x2b: {  	_ =	swait.ge [sflag:s16], $0x2800  }
0x2c: {  	s0 =	sadd.s32 $0xFFFFFFFF, s8;
	s1 =	smov.u32 s6;
	[sflag:s16] =	ssyncset.done $0x0  }
.LBB2_4:
0x2d: {  	p1 =	sne.s32 s0, $0x1;
	[sflag:s16] =	ssyncadd.s32 $0xFFFFD800;
	s1 =	sadd.s32 $0x28000, s1  }
.Ltmp2:
0x2e: {  	s0 =	sadd.s32 $0xFFFFFFFF, s0;
	(pc) =	sbr.rel @p1 .LBB2_4-.Ltmp2, $4  }
0x2f: {  	_ = 	snop  }
0x30: {  	[spmem:s1] =	stream.linear.scatter [tilespmem:s17], [sflag:$0x5], $0x2800, $0x38;
	[tilespmem:$0x1E980] =	vst v63  }
0x31: {  	_ =	swait.ge [sflag:s16], $0x2800  }
0x32: {  	[sflag:s16] =	ssyncset.done $0x0  }
.LBB2_5:
0x33: {  	[sflag:s16] =	ssyncadd.s32 $0xFFFFD800  }
0x34: {  	s0 =	simm.s32 $0x0;
	[bflag:$0x0] =	sbarrier.arrive $0xFFFF  }
0x35: {  	[tilespmem:s17], [sflag:$0x1] =	stream.indirect.gather [hbm4b:s2+s18], $0x80, s0, s18, $0xb8;
	[tilespmem:$0x1E980] =	vst v63  }
0x36: {  	_ = 	snop  }
0x37: {  	[tilespmem:s19], [sflag:$0x3] =	stream.linear.gather [hbm4b:s7+s0], $0x80, $0x38;
	[tilespmem:$0x1E980] =	vst v63  }
0x38: {  	_ = 	snop  }
0x39: {  	[tilespmem:s20], [sflag:$0x2] =	stream.indirect.gather [hbm4b:s2+s18], $0x80, s18, s18, $0xb8;
	[tilespmem:$0x1E980] =	vst v63  }
0x3a: {  	s1 =	rddreg [dreg:$0x5]  }
0x3b: {  	[tilespmem:s21], [sflag:$0x4] =	stream.linear.gather [hbm4b:s1+s0], $0x80, $0x38;
	[tilespmem:$0x1E980] =	vst v63  }
0x3c: {  	_ =	swait.ge [sflag:s22], $0x4000  }
0x3d: {  	[sflag:s22] =	ssyncset.done $0x0  }
0x3e: {  	[sflag:s22] =	ssyncadd.s32 $0xFFFFC000  }
0x3f: {  	_ =	swait.ge [sflag:s23], $0x80  }
0x40: {  	[sflag:s23] =	ssyncset.done $0x0  }
0x41: {  	s9 =	sshrl.u32 s28, $0x3;
	s1 =	simm.s32 $0x100;
	[sflag:s23] =	ssyncadd.s32 $0xFFFFFF80  }
0x42: {  	[tilespmem:s17], [sflag:$0x1] =	stream.indirect.gather [hbm4b:s2+s18], $0x80, s1, s18, $0xb8;
	[tilespmem:$0x1E980] =	vst v63  }
0x43: {  	s0 =	sadd.s32 s5, s9  }
0x44: {  	[tilespmem:s19], [sflag:$0x3] =	stream.linear.gather [hbm4b:s0+s4], $0x80, $0x38;
	[tilespmem:$0x1E980] =	vst v63  }
0x45: {  	_ = 	snop  }
0x46: {  	[spmem:s3] =	stream.indirect.scatter.add.f32 [tilespmem:s17], [sflag:$0x5], $0x80, s19, s18, $0xb8;
	[tilespmem:$0x1E980] =	vst v63  }
0x47: {  	_ =	swait.ge [sflag:s16], $0x4000  }
0x48: {  	[sflag:s16] =	ssyncset.done $0x0  }
0x49: {  	[sflag:s16] =	ssyncadd.s32 $0xFFFFC000  }
0x4a: {  	_ =	swait.ge [sflag:s24], $0x4000  }
0x4b: {  	[sflag:s24] =	ssyncset.done $0x0  }
0x4c: {  	[sflag:s24] =	ssyncadd.s32 $0xFFFFC000  }
0x4d: {  	_ =	swait.ge [sflag:s25], $0x80  }
0x4e: {  	[sflag:s25] =	ssyncset.done $0x0  }
0x4f: {  	s12 =	simm.s32 $0x180;
	[sflag:s25] =	ssyncadd.s32 $0xFFFFFF80  }
0x50: {  	[tilespmem:s20], [sflag:$0x2] =	stream.indirect.gather [hbm4b:s2+s18], $0x80, s12, s18, $0xb8;
	[tilespmem:$0x1E980] =	vst v63  }
0x51: {  	s13 =	sadd.s32 $0x0, s14  }
0x52: {  	[tilespmem:s21], [sflag:$0x4] =	stream.linear.gather [hbm4b:s13+s4], $0x80, $0x38;
	[tilespmem:$0x1E980] =	vst v63  }
0x53: {  	_ = 	snop  }
0x54: {  	[spmem:s3] =	stream.indirect.scatter.add.f32 [tilespmem:s20], [sflag:$0x5], $0x80, s21, s18, $0xb8;
	[tilespmem:$0x1E980] =	vst v63  }
0x55: {  	_ =	swait.ge [sflag:s16], $0x4000  }
0x56: {  	s0 =	simm.s32 $0x20;
	s13 =	smov.u32 s28;
	[sflag:s16] =	ssyncset.done $0x0  }
.LBB2_6:
0x57: {  	[sflag:s16] =	ssyncadd.s32 $0xFFFFC000;
	s1 =	sadd.s32 $0x100, s1;
	s13 =	sadd.s32 $0x100, s13  }
0x58: {  	p1 =	sne.s32 s0, $0x4A0;
	s12 =	smov.u32 s0;
	s0 =	sadd.s32 $0x20, s0  }
0x59: {  	_ =	swait.ge [sflag:s22], $0x4000  }
0x5a: {  	[sflag:s22] =	ssyncset.done $0x0  }
0x5b: {  	[sflag:s22] =	ssyncadd.s32 $0xFFFFC000  }
0x5c: {  	_ =	swait.ge [sflag:s23], $0x80  }
0x5d: {  	[sflag:s23] =	ssyncset.done $0x0  }
0x5e: {  	s9 =	sshrl.u32 s13, $0x3;
	[sflag:s23] =	ssyncadd.s32 $0xFFFFFF80  }
0x5f: {  	[tilespmem:s17], [sflag:$0x1] =	stream.indirect.gather [hbm4b:s2+s18], $0x80, s1, s18, $0xb8;
	[tilespmem:$0x1E980] =	vst v63  }
0x60: {  	s9 =	sadd.s32 s5, s9  }
0x61: {  	[tilespmem:s19], [sflag:$0x3] =	stream.linear.gather [hbm4b:s9+s4], $0x80, $0x38;
	[tilespmem:$0x1E980] =	vst v63  }
0x62: {  	_ = 	snop  }
0x63: {  	[spmem:s3] =	stream.indirect.scatter.add.f32 [tilespmem:s17], [sflag:$0x5], $0x80, s19, s18, $0xb8;
	[tilespmem:$0x1E980] =	vst v63  }
0x64: {  	_ =	swait.ge [sflag:s16], $0x4000  }
0x65: {  	[sflag:s16] =	ssyncset.done $0x0  }
0x66: {  	[sflag:s16] =	ssyncadd.s32 $0xFFFFC000  }
0x67: {  	_ =	swait.ge [sflag:s24], $0x4000  }
0x68: {  	[sflag:s24] =	ssyncset.done $0x0  }
0x69: {  	[sflag:s24] =	ssyncadd.s32 $0xFFFFC000  }
0x6a: {  	_ =	swait.ge [sflag:s25], $0x80  }
0x6b: {  	[sflag:s25] =	ssyncset.done $0x0  }
0x6c: {  	s9 =	sadd.s32 $0x80, s1;
	[sflag:s25] =	ssyncadd.s32 $0xFFFFFF80  }
0x6d: {  	[tilespmem:s20], [sflag:$0x2] =	stream.indirect.gather [hbm4b:s2+s18], $0x80, s9, s18, $0xb8;
	[tilespmem:$0x1E980] =	vst v63  }
0x6e: {  	s9 =	sadd.s32 s12, s14  }
0x6f: {  	[tilespmem:s21], [sflag:$0x4] =	stream.linear.gather [hbm4b:s9+s4], $0x80, $0x38;
	[tilespmem:$0x1E980] =	vst v63  }
.Ltmp3:
0x70: {  	_ = 	snop;
	(pc) =	sbr.rel @p1 .LBB2_6-.Ltmp3, $4  }
0x71: {  	_ = 	snop  }
0x72: {  	[spmem:s3] =	stream.indirect.scatter.add.f32 [tilespmem:s20], [sflag:$0x5], $0x80, s21, s18, $0xb8;
	[tilespmem:$0x1E980] =	vst v63  }
0x73: {  	_ =	swait.ge [sflag:s16], $0x4000  }
0x74: {  	[sflag:s16] =	ssyncset.done $0x0  }
0x75: {  	[sflag:s16] =	ssyncadd.s32 $0xFFFFC000  }
0x76: {  	_ =	swait.ge [sflag:s22], $0x4000  }
0x77: {  	[sflag:s22] =	ssyncset.done $0x0  }
0x78: {  	[sflag:s22] =	ssyncadd.s32 $0xFFFFC000  }
0x79: {  	_ =	swait.ge [sflag:s23], $0x80  }
0x7a: {  	[sflag:s23] =	ssyncset.done $0x0  }
0x7b: {  	[sflag:s23] =	ssyncadd.s32 $0xFFFFFF80  }
0x7c: {  	[spmem:s3] =	stream.indirect.scatter.add.f32 [tilespmem:s17], [sflag:$0x5], $0x80, s19, s18, $0xb8;
	[tilespmem:$0x1E980] =	vst v63  }
0x7d: {  	_ =	swait.ge [sflag:s16], $0x4000  }
0x7e: {  	[sflag:s16] =	ssyncset.done $0x0  }
0x7f: {  	[sflag:s16] =	ssyncadd.s32 $0xFFFFC000  }
0x80: {  	_ =	swait.ge [sflag:s24], $0x4000  }
0x81: {  	[sflag:s24] =	ssyncset.done $0x0  }
0x82: {  	[sflag:s24] =	ssyncadd.s32 $0xFFFFC000  }
0x83: {  	_ =	swait.ge [sflag:s25], $0x80  }
0x84: {  	[sflag:s25] =	ssyncset.done $0x0  }
0x85: {  	[sflag:s25] =	ssyncadd.s32 $0xFFFFFF80  }
0x86: {  	[spmem:s3] =	stream.indirect.scatter.add.f32 [tilespmem:s20], [sflag:$0x5], $0x80, s21, s18, $0xb8;
	[tilespmem:$0x1E980] =	vst v63  }
0x87: {  	_ =	swait.ge [sflag:s16], $0x4000  }
0x88: {  	[sflag:s16] =	ssyncset.done $0x0  }
0x89: {  	s0 =	simm.s32 $0x2700;
	[sflag:s16] =	ssyncadd.s32 $0xFFFFC000  }
0x8a: {  	[tilespmem:s29], [sflag:$0x1] =	stream.indirect.gather [hbm4b:s2+s26], $0x80, s0, s26, $0xb8;
	[tilespmem:$0x1E980] =	vst v63  }
0x8b: {  	_ = 	snop  }
0x8c: {  	[tilespmem:s30], [sflag:$0x5] =	stream.linear.gather [hbm4b:s10+s4], $0x10, $0x38;
	[tilespmem:$0x1E980] =	vst v63  }
0x8d: {  	_ =	swait.ge [sflag:s16], $0x10  }
0x8e: {  	[sflag:s16] =	ssyncset.done $0x0  }
0x8f: {  	[sflag:s16] =	ssyncadd.s32 $0xFFFFFFF0  }
0x90: {  	_ =	swait.ge [sflag:s22], $0x800  }
0x91: {  	[sflag:s22] =	ssyncset.done $0x0  }
0x92: {  	[sflag:s22] =	ssyncadd.s32 $0xFFFFF800  }
0x93: {  	[spmem:s3] =	stream.indirect.scatter.add.f32 [tilespmem:s29], [sflag:$0x5], $0x80, s30, s26, $0xb8;
	[tilespmem:$0x1E980] =	vst v63  }
0x94: {  	_ =	swait.ge [sflag:s16], $0x800  }
.Ltmp4:
0x95: {  	s13 =	stileid.u32;
	[sflag:s16] =	ssyncset.done $0x0;
	(pc) =	sbr.rel @!p0 .LBB2_9-.Ltmp4, $4  }
0x96: {  	s1 =	sshrl.u32 s6, $0x3;
	s0 =	sshll.u32 s13, $0x6;
	[sflag:s16] =	ssyncadd.s32 $0xFFFFF800  }
0x97: {  	s12 =	smov.u32 s6;
	s0 =	sor.u32 $0x1C05, s0;
	[bflag:$0x0] =	sbarrier.arrive $0xFFFF  }
0x98: {  	[hbm:s15], [sflag:s0] =	dma.local [spmem:s1], $0x500  }
0x99: {  	s13 =	sadd.s32 $0x5000, s15;
	s1 =	sadd.s32 $0xFFFFFFFF, s8;
	_ =	swait.ge [sflag:s16], $0x500  }
.LBB2_8:
0x9a: {  	[sflag:s16] =	ssyncset.done $0x0;
	s12 =	sadd.s32 $0x28000, s12;
	p0 =	sne.s32 s1, $0x1  }
.Ltmp5:
0x9b: {  	s9 =	sshrl.u32 s12, $0x3;
	[sflag:s16] =	ssyncadd.s32 $0xFFFFFB00;
	(pc) =	sbr.rel @p0 .LBB2_8-.Ltmp5, $3  }
0x9c: {  	[hbm:s13], [sflag:s0] =	dma.local [spmem:s9], $0x500  }
0x9d: {  	s1 =	sadd.s32 $0xFFFFFFFF, s1;
	_ =	sdelay $0x1  }
0x9e: {  	s13 =	sadd.s32 $0x5000, s13;
	_ =	swait.ge [sflag:s16], $0x500  }
.LBB2_9:
0x9f: {  	s31 =	sadd.s32 $0x1, s31  }
0xa0: {  	p0 =	sne.s32 s31, s11  }
.Ltmp6:
0xa1: {  	_ = 	snop;
	(pc) =	sbr.rel @p0 .LBB2_1-.Ltmp6, $3  }
0xa2: {  	_ =	sdelay $0x1  }
0xa3: {  	[sflag:s16] =	ssyncset.done $0x0  }
0xa4: {  	[sflag:s16] =	ssyncadd.s32 $0xFFFFFB00  }
0xa5: {  	_ =	sfence.sel $0x180000  }
0xa6: {  	[bflag:$0x0] =	sbarrier.arrive $0xFFFF  }
0xa7: {  	_ =	strace $0x90000047  }
0xa8: {  	s0 =	stileid.u32;
	[bflag:$0x2] =	sbarrier.arrive $0xFFFF  }
0xa9: {  	p0 =	sne.s32 s0, $0x0;
	s0 =	rddreg [dreg:$0x3]  }
0xaa: {  	s0 =	sadd.s32 @!p0 $0x100000, s0  }
0xab: {  	[sflag:s0] =	ssyncadd.tile.s32 @!p0 $0x1;
	_ =	shalt  }
.Lfunc_end2:
_tile_overlayer_lowered:
.L_overlay_start_2:
0xac: {  	(tag) =	ssettag $0x2  }
0xad: {  	s0 =	rddreg [dreg:$0x0];
	s2 =	stileid.u32  }
0xae: {  	s1 =	rddreg [dreg:$0x1];
	p0 =	sne.s32 s2, $0x0  }
0xaf: {  	s3 =	rddreg [dreg:$0x2];
	[bflag:$0x3] =	sbarrier.arrive $0xFFFF;
	s2 =	simm.s32 @!p0 $0x1C05  }
0xb0: {  	[timem:s3], [sflag:s2] =	dma.local @!p0 [hbm:s0], s1  }
0xb1: {  	s0 =	simm.s32 @!p0 $0x5  }
0xb2: {  	_ =	swait.ge @!p0 [sflag:s0], s1  }
0xb3: {  	s1 =	ssub.s32 @!p0 $0x0, s1;
	[sflag:s0] =	ssyncset.done @!p0 $0x0  }
0xb4: {  	[sflag:s0] =	ssyncadd.s32 @!p0 s1  }
0xb5: {  	[bflag:$0x3] =	sbarrier.arrive $0xFFFF  }
0xb6: {  	_ =	shalt  }

</sc_bundles>
